<compile_context>
chip_gen: v7x
topology: tpu7x:2x2x1
jax: 0.10.2.dev20260603
libtpu: 0.0.44.dev20260713+nightly
codegen_flags: <defaults>
</compile_context>

<pallas_src>
import functools

import jax
import jax.numpy as jnp
from jax import lax
from jax.experimental import pallas as pl
from jax.experimental.pallas import tpu as pltpu
from jax.experimental.pallas import tpu_sc as plsc

N = 16384
D = 32
C = 128
B = 2048
NB = N // B
MIN_COUNT = 10
_HI = jax.lax.Precision.HIGHEST

NSUB = 16
CH = N // NSUB
NG = CH // 16

_mesh = plsc.VectorSubcoreMesh(core_axis_name="c", subcore_axis_name="s")


@functools.partial(
    pl.kernel,
    mesh=_mesh,
    compiler_params=pltpu.CompilerParams(needs_layout_passes=False),
    out_type=(
        jax.ShapeDtypeStruct((N,), jnp.int32),
        jax.ShapeDtypeStruct((N,), jnp.int32),
        jax.ShapeDtypeStruct((C,), jnp.int32),
    ),
    scratch_types=(
        pltpu.VMEM((CH,), jnp.int32),
        pltpu.VMEM((CH,), jnp.int32),
        pltpu.VMEM((C,), jnp.int32),
        pltpu.VMEM((NSUB, C), jnp.int32),
        pltpu.VMEM_SHARED((NSUB, C), jnp.int32),
        pltpu.VMEM((C,), jnp.int32),
        pltpu.VMEM((C,), jnp.int32),
        pltpu.VMEM((16,), jnp.int32),
        pltpu.VMEM((16,), jnp.int32),
        pltpu.VMEM((16,), jnp.int32),
        pltpu.VMEM((CH,), jnp.int32),
        pltpu.VMEM((CH,), jnp.int32),
    ),
)
def _sc_group(t_hbm, ts_hbm, tq_hbm, counts_hbm,
              t_v, rank_v, hist, allh, shared, off_v, tot_v,
              tmp_a, tmp_b, tmp_c, ts_v, tq_v):
    cid = lax.axis_index("c")
    sid = lax.axis_index("s")
    base = sid * CH
    iota16 = lax.broadcasted_iota(jnp.int32, (16,), 0)
    zeros16 = jnp.zeros((16,), jnp.int32)

    pltpu.sync_copy(t_hbm.at[pl.ds(base, CH)], t_v)
    for k in range(C // 16):
        hist[pl.ds(k * 16, 16)] = zeros16

    def grp(g, _):
        tt = t_v[pl.ds(g * 16, 16)]
        cnt = plsc.load_gather(hist, [tt])
        sk, sv = plsc.sort_key_val(tt, iota16)
        tmp_a[...] = sk
        skprev = plsc.load_gather(tmp_a, [jnp.maximum(iota16 - 1, 0)])
        isnew = (iota16 == 0) | (sk != skprev)
        runstart = plsc.cummax(jnp.where(isnew, iota16, 0))
        runpos = iota16 - runstart
        plsc.store_scatter(tmp_b, [sv], runpos)
        delta = tmp_b[...]
        rank_v[pl.ds(g * 16, 16)] = cnt + delta
        tmp_c[...] = cnt
        cnt_sorted = plsc.load_gather(tmp_c, [sv])
        tmp_a[...] = jnp.where(isnew, 1, 0)
        nxt = plsc.load_gather(tmp_a, [jnp.minimum(iota16 + 1, 15)])
        lastrun = (iota16 == 15) | (nxt == 1)
        plsc.store_scatter(hist, [sk], cnt_sorted + runpos + 1, mask=lastrun)
        return 0

    lax.fori_loop(0, NG, grp, 0)

    pltpu.sync_copy(hist, shared.at[sid])
    plsc.subcore_barrier()
    pltpu.sync_copy(shared, allh)

    for k in range(C // 16):
        def red(w, carry):
            off, tot = carry
            v = allh[w, pl.ds(k * 16, 16)]
            return off + v * jnp.where(w < sid, 1, 0), tot + v

        off, tot = lax.fori_loop(0, NSUB, red, (zeros16, zeros16))
        off_v[pl.ds(k * 16, 16)] = off
        tot_v[pl.ds(k * 16, 16)] = tot

    @pl.when((cid == 0) & (sid == 0))
    def _():
        pltpu.sync_copy(tot_v, counts_hbm)

    def grp2(g, _):
        tt = t_v[pl.ds(g * 16, 16)]
        r = rank_v[pl.ds(g * 16, 16)] + plsc.load_gather(off_v, [tt])
        ctot = plsc.load_gather(tot_v, [tt])
        nsv = lax.shift_right_arithmetic(ctot, 1)
        vld = ctot >= MIN_COUNT
        ts_v[pl.ds(g * 16, 16)] = jnp.where(vld & (r < nsv), tt, C)
        tq_v[pl.ds(g * 16, 16)] = jnp.where(vld & (r >= nsv), tt, C)
        return 0

    lax.fori_loop(0, NG, grp2, 0)

    @pl.when(cid == 0)
    def _():
        pltpu.sync_copy(ts_v, ts_hbm.at[pl.ds(base, CH)])
        pltpu.sync_copy(tq_v, tq_hbm.at[pl.ds(base, CH)])


def _tc_body(x_ref, ts_ref, tq_ref, cnt_ref, out_ref):
    iota_c = jax.lax.broadcasted_iota(jnp.int32, (1, C), 1)
    counts = cnt_ref[...].astype(jnp.float32)
    ns = jnp.floor(counts * 0.5)
    valid = counts >= float(MIN_COUNT)

    iota_cb = jax.lax.broadcasted_iota(jnp.int32, (C, B), 0)

    def ph2(i, acc):
        oh_sup = (iota_cb == ts_ref[i][None, :]).astype(jnp.bfloat16)
        x_blk = x_ref[i]
        xh = x_blk.astype(jnp.bfloat16)
        r = x_blk - xh.astype(jnp.float32)
        xm = r.astype(jnp.bfloat16)
        xl = (r - xm.astype(jnp.float32)).astype(jnp.bfloat16)
        dn = (((1,), (0,)), ((), ()))
        for xs in (xh, xm, xl):
            acc = acc + jax.lax.dot_general(
                oh_sup, xs, dn, preferred_element_type=jnp.float32)
        return acc

    psum = jnp.zeros((C, D), jnp.float32)
    for _i in range(NB):
        psum = ph2(_i, psum)

    inv_n = 1.0 / jnp.maximum(ns, 1.0)
    inv2 = 2.0 * inv_n
    sn2 = jnp.where(valid,
                    jnp.sum(psum * psum, axis=1).reshape(1, C) * inv_n * inv_n,
                    jnp.float32(jnp.inf))
    enc = (float(C - 1) - iota_c).astype(jnp.float32)

    def ph3(i, carry):
        loss_sum, acc_sum, qcnt = carry
        x_blk = x_ref[i]
        oh_q = tq_ref[i][:, None] == iota_c
        g = jax.lax.dot_general(x_blk, psum, (((1,), (1,)), ((), ())),
                                precision=_HI)
        logits = g * inv2 - sn2
        m = jnp.max(logits, axis=1, keepdims=True)
        ssum = jnp.sum(jnp.exp(logits - m), axis=1, keepdims=True)
        logit_t = jnp.sum(jnp.where(oh_q, logits, 0.0), axis=1, keepdims=True)
        logp_t = logit_t - m - jnp.log(ssum)

        t_enc = jnp.max(jnp.where(oh_q, enc, -1.0), axis=1, keepdims=True)
        q_b = t_enc >= 0.0
        pred_enc = jnp.max(jnp.where(logits == m, enc, -1.0), axis=1,
                           keepdims=True)
        loss_sum += jnp.sum(jnp.where(q_b, -logp_t, 0.0))
        qcnt += jnp.sum(jnp.where(q_b, 1.0, 0.0))
        acc_sum += jnp.sum(jnp.where((pred_enc == t_enc) & q_b, 1.0, 0.0))
        return loss_sum, acc_sum, qcnt

    carry = (jnp.float32(0), jnp.float32(0), jnp.float32(0))
    for _i in range(NB):
        carry = ph3(_i, carry)
    loss_sum, acc_sum, qcnt = carry
    iota2 = jax.lax.broadcasted_iota(jnp.int32, (1, 2), 1)
    out_ref[...] = jnp.where(iota2 == 0, loss_sum / qcnt, acc_sum / qcnt)


@jax.jit
def kernel(input, target):
    t = target.astype(jnp.int32)
    ts, tq, cnts = _sc_group(t)
    out = pl.pallas_call(
        _tc_body,
        out_shape=jax.ShapeDtypeStruct((1, 2), jnp.float32),
    )(input.reshape(NB, B, D), ts.reshape(NB, B), tq.reshape(NB, B),
      cnts.reshape(1, C))
    return out[0, 0], out[0, 1]

# --- scband reference (transcript-rebuilt; emitter-appended) ---
"""Pipeline reference for scband-prototypical-loss-88064009437984 (READ-ONLY COPY).

The authoritative reference and input builder live on the scoring server;
editing this copy changes nothing except your own understanding.
"""

import jax, jax.numpy as jnp
import numpy as np

MIN_COUNT = 10


def setup_inputs(seed: int = 0) -> dict:
    key = jax.random.key(seed)
    k1, k2 = jax.random.split(key)
    embeddings = jax.random.normal(k1, (16384, 32), dtype=jnp.float32)
    target = jax.random.randint(k2, (16384,), 0, 128)
    return {"input": embeddings, "target": target}


def reference(input, target):
    num_classes = 128
    t = target.astype(jnp.int32)
    onehot = (t[:, None] == jnp.arange(num_classes, dtype=jnp.int32)[None, :])
    cum = jnp.cumsum(onehot.astype(jnp.int32), axis=0)
    counts = cum[-1]
    rank = jnp.take_along_axis(cum, t[:, None], axis=1)[:, 0] - 1
    n_support = counts // 2
    valid = counts >= MIN_COUNT
    ns_per_sample = n_support[t]
    valid_per_sample = valid[t]
    is_support = valid_per_sample & (rank < ns_per_sample)
    is_query = valid_per_sample & (rank >= ns_per_sample)

    sup_w = is_support.astype(input.dtype)
    proto_sum = jax.ops.segment_sum(input * sup_w[:, None], t, num_segments=num_classes)
    denom = jnp.maximum(n_support, 1).astype(input.dtype)
    prototypes = proto_sum / denom[:, None]

    diff = input[:, None, :] - prototypes[None, :, :]
    dists = jnp.sum(diff * diff, axis=2)

    logits = jnp.where(valid[None, :], -dists, -jnp.inf)
    log_p_y = jax.nn.log_softmax(logits, axis=1)

    per_sample = -jnp.take_along_axis(log_p_y, t[:, None], axis=1)[:, 0]
    per_sample = jnp.where(is_query, per_sample, 0.0)
    qw = is_query.astype(jnp.float32)
    n_query_total = jnp.sum(qw)
    loss_val = jnp.sum(per_sample * qw) / n_query_total
    pred = jnp.argmax(log_p_y, axis=1)
    acc_val = jnp.sum((pred == t).astype(jnp.float32) * qw) / n_query_total
    return (loss_val, acc_val)

if __name__ == "__main__":
    import jax
    _d = setup_inputs()
    print(jax.jit(kernel)(*tuple(_d.values())))

</pallas_src>

<mosaic_0001>
#map = affine_map<(d0, d1) -> (0)>
module attributes {stable_mosaic.version = 14 : i64} {
  func.func @_sc_group(%arg0: i32, %arg1: i32, %arg2: memref<16384xi32, #tpu.memory_space<hbm>>, %arg3: memref<16384xi32, #tpu.memory_space<hbm>>, %arg4: memref<16384xi32, #tpu.memory_space<hbm>>, %arg5: memref<128xi32, #tpu.memory_space<hbm>>, %arg6: memref<1024xi32, #tpu.memory_space<vmem>>, %arg7: memref<1024xi32, #tpu.memory_space<vmem>>, %arg8: memref<128xi32, #tpu.memory_space<vmem>>, %arg9: memref<16x128xi32, #tpu.memory_space<vmem>>, %arg10: memref<16x128xi32, #tpu.memory_space<vmem_shared>>, %arg11: memref<128xi32, #tpu.memory_space<vmem>>, %arg12: memref<128xi32, #tpu.memory_space<vmem>>, %arg13: memref<16xi32, #tpu.memory_space<vmem>>, %arg14: memref<16xi32, #tpu.memory_space<vmem>>, %arg15: memref<16xi32, #tpu.memory_space<vmem>>, %arg16: memref<1024xi32, #tpu.memory_space<vmem>>, %arg17: memref<1024xi32, #tpu.memory_space<vmem>>) attributes {dimension_semantics = [#tpu.dimension_semantics<core_parallel>, #tpu.dimension_semantics<subcore_parallel>], iteration_bounds = array<i64: 2, 16>, scalar_prefetch = 0 : i64, scratch_operands = 12 : i64, tpu.core_type = #tpu.core_type<sc_vector_subcore>, window_params = [{transform_indices = #map}, {transform_indices = #map}, {transform_indices = #map}, {transform_indices = #map}]} {
    %mul3A = arith.constant 1024 : i32
    %mul3A_0 = arith.muli %arg1, %mul3A : i32
    %iota3A = tpu.iota {dimensions = array<i32: 0>} : vector<16xi32>
    %broadcast_in_dim3A = arith.constant 0 : i32
    %broadcast_in_dim3A_1 = vector.broadcast %broadcast_in_dim3A : i32 to vector<16xi32>
    "tpu.region"() ({
      %run_scoped3A = tpu.sem_alloc : memref<!tpu.dma_semaphore, #tpu.memory_space<semaphore_mem>>
      %dma_start3A = tpu.memref_slice %arg2[%mul3A_0] : memref<16384xi32, #tpu.memory_space<hbm>> -> memref<1024xi32, #tpu.memory_space<hbm>>
      %dma_start3A_119 = tpu.memref_slice %arg2[%mul3A_0] : memref<16384xi32, #tpu.memory_space<hbm>> -> memref<1024xi32, #tpu.memory_space<hbm>>
      tpu.enqueue_dma source(%dma_start3A_119 : memref<1024xi32, #tpu.memory_space<hbm>>) target(%arg6 : memref<1024xi32, #tpu.memory_space<vmem>>) target_semaphore(%run_scoped3A : memref<!tpu.dma_semaphore, #tpu.memory_space<semaphore_mem>>)
      %dma_wait3A = tpu.memref_slice %arg2[%mul3A_0] : memref<16384xi32, #tpu.memory_space<hbm>> -> memref<1024xi32, #tpu.memory_space<hbm>>
      %dma_wait3A_120 = tpu.memref_slice %arg2[%mul3A_0] : memref<16384xi32, #tpu.memory_space<hbm>> -> memref<1024xi32, #tpu.memory_space<hbm>>
      tpu.wait_dma2 semaphore(%run_scoped3A : memref<!tpu.dma_semaphore, #tpu.memory_space<semaphore_mem>>) src(%dma_wait3A_120 : memref<1024xi32, #tpu.memory_space<hbm>>) dst(%arg6 : memref<1024xi32, #tpu.memory_space<vmem>>)
      tpu.yield
    }) : () -> ()
    %swap3A = arith.constant 0 : index
    %swap3A_2 = tpu.vector_load %arg8[%swap3A] {strides = array<i32>} : memref<128xi32, #tpu.memory_space<vmem>>, vector<16xi32>,
    tpu.vector_store %arg8[%swap3A], %broadcast_in_dim3A_1 {strides = array<i32>} : memref<128xi32, #tpu.memory_space<vmem>>, vector<16xi32>,
    %swap3A_3 = arith.constant 16 : index
    %swap3A_4 = tpu.vector_load %arg8[%swap3A_3] {strides = array<i32>} : memref<128xi32, #tpu.memory_space<vmem>>, vector<16xi32>,
    tpu.vector_store %arg8[%swap3A_3], %broadcast_in_dim3A_1 {strides = array<i32>} : memref<128xi32, #tpu.memory_space<vmem>>, vector<16xi32>,
    %swap3A_5 = arith.constant 32 : index
    %swap3A_6 = tpu.vector_load %arg8[%swap3A_5] {strides = array<i32>} : memref<128xi32, #tpu.memory_space<vmem>>, vector<16xi32>,
    tpu.vector_store %arg8[%swap3A_5], %broadcast_in_dim3A_1 {strides = array<i32>} : memref<128xi32, #tpu.memory_space<vmem>>, vector<16xi32>,
    %swap3A_7 = arith.constant 48 : index
    %swap3A_8 = tpu.vector_load %arg8[%swap3A_7] {strides = array<i32>} : memref<128xi32, #tpu.memory_space<vmem>>, vector<16xi32>,
    tpu.vector_store %arg8[%swap3A_7], %broadcast_in_dim3A_1 {strides = array<i32>} : memref<128xi32, #tpu.memory_space<vmem>>, vector<16xi32>,
    %swap3A_9 = arith.constant 64 : index
    %swap3A_10 = tpu.vector_load %arg8[%swap3A_9] {strides = array<i32>} : memref<128xi32, #tpu.memory_space<vmem>>, vector<16xi32>,
    tpu.vector_store %arg8[%swap3A_9], %broadcast_in_dim3A_1 {strides = array<i32>} : memref<128xi32, #tpu.memory_space<vmem>>, vector<16xi32>,
    %swap3A_11 = arith.constant 80 : index
    %swap3A_12 = tpu.vector_load %arg8[%swap3A_11] {strides = array<i32>} : memref<128xi32, #tpu.memory_space<vmem>>, vector<16xi32>,
    tpu.vector_store %arg8[%swap3A_11], %broadcast_in_dim3A_1 {strides = array<i32>} : memref<128xi32, #tpu.memory_space<vmem>>, vector<16xi32>,
    %swap3A_13 = arith.constant 96 : index
    %swap3A_14 = tpu.vector_load %arg8[%swap3A_13] {strides = array<i32>} : memref<128xi32, #tpu.memory_space<vmem>>, vector<16xi32>,
    tpu.vector_store %arg8[%swap3A_13], %broadcast_in_dim3A_1 {strides = array<i32>} : memref<128xi32, #tpu.memory_space<vmem>>, vector<16xi32>,
    %swap3A_15 = arith.constant 112 : index
    %swap3A_16 = tpu.vector_load %arg8[%swap3A_15] {strides = array<i32>} : memref<128xi32, #tpu.memory_space<vmem>>, vector<16xi32>,
    tpu.vector_store %arg8[%swap3A_15], %broadcast_in_dim3A_1 {strides = array<i32>} : memref<128xi32, #tpu.memory_space<vmem>>, vector<16xi32>,
    %scan3A = arith.constant 0 : i32
    %scan3A_17 = arith.constant 0 : i32
    %scan3A_18 = arith.constant 64 : i32
    %scan3A_19 = arith.addi %scan3A_17, %scan3A_18 : i32
    %scan3A_20 = arith.constant 1 : i32
    %scan3A_21 = scf.for %scan3A_119 = %scan3A_17 to %scan3A_19 step %scan3A_20 iter_args(%scan3A_120 = %scan3A) -> (i32)  : i32 {
      %mul3A_121 = arith.constant 16 : i32
      %mul3A_122 = arith.muli %scan3A_119, %mul3A_121 : i32
      %get3A = arith.index_cast %mul3A_122 : i32 to index
      %get3A_123 = tpu.vector_load %arg6[%get3A] {strides = array<i32>} : memref<1024xi32, #tpu.memory_space<vmem>>, vector<16xi32>,
      %gather3A = tpu.vector_load_idx %arg8[%get3A_123] : memref<128xi32, #tpu.memory_space<vmem>>[vector<16xi32>], vector<16xi32>,
      %masked_sort3A = arith.constant dense<true> : vector<16xi1>
      %masked_sort3A_124 = arith.constant -2147483648 : i32
      %masked_sort3A_125 = vector.broadcast %masked_sort3A_124 : i32 to vector<16xi32>
      %masked_sort3A_126 = arith.xori %get3A_123, %masked_sort3A_125 : vector<16xi32>
      %masked_sort3A_127, %masked_sort3A_128, %masked_sort3A_129 = tpu.sort %masked_sort3A_126, %iota3A masked %masked_sort3A : (vector<16xi32>, vector<16xi32>, vector<16xi1>) -> (vector<16xi1>, vector<16xi32>, vector<16xi32>)
      %masked_sort3A_130 = arith.xori %masked_sort3A_128, %masked_sort3A_125 : vector<16xi32>
      %swap3A_131 = arith.constant 0 : index
      %swap3A_132 = tpu.vector_load %arg13[%swap3A_131] {strides = array<i32>} : memref<16xi32, #tpu.memory_space<vmem>>, vector<16xi32>,
      tpu.vector_store %arg13[%swap3A_131], %masked_sort3A_130 {strides = array<i32>} : memref<16xi32, #tpu.memory_space<vmem>>, vector<16xi32>,
      %sub3A = arith.constant 1 : i32
      %sub3A_133 = vector.broadcast %sub3A : i32 to vector<16xi32>
      %sub3A_134 = arith.subi %iota3A, %sub3A_133 : vector<16xi32>
      %max3A = arith.constant 0 : i32
      %max3A_135 = vector.broadcast %max3A : i32 to vector<16xi32>
      %max3A_136 = arith.maxsi %sub3A_134, %max3A_135 : vector<16xi32>
      %gather3A_137 = tpu.vector_load_idx %arg13[%max3A_136] : memref<16xi32, #tpu.memory_space<vmem>>[vector<16xi32>], vector<16xi32>,
      %eq3A_138 = arith.constant 0 : i32
      %eq3A_139 = vector.broadcast %eq3A_138 : i32 to vector<16xi32>
      %eq3A_140 = arith.cmpi eq, %iota3A, %eq3A_139 : vector<16xi32>
      %ne3A = arith.cmpi ne, %masked_sort3A_130, %gather3A_137 : vector<16xi32>
      %or3A = arith.ori %eq3A_140, %ne3A : vector<16xi1>
      %jit3A = arith.constant 0 : i32
      %broadcast_in_dim3A_141 = vector.broadcast %jit3A : i32 to vector<16xi32>
      %select_n3A = arith.select %or3A, %iota3A, %broadcast_in_dim3A_141 : vector<16xi1>, vector<16xi32>
      %broadcast_in_dim3A_142 = arith.constant true
      %broadcast_in_dim3A_143 = vector.broadcast %broadcast_in_dim3A_142 : i1 to vector<16xi1>
      %masked_cummax3A = arith.constant -2147483648 : i32
      %masked_cummax3A_144 = vector.broadcast %masked_cummax3A : i32 to vector<16xi32>
      %masked_cummax3A_145 = arith.xori %select_n3A, %masked_cummax3A_144 : vector<16xi32>
      %masked_cummax3A_146 = tpu.scan <max>, %masked_cummax3A_145 masked %broadcast_in_dim3A_143 : vector<16xi32>, vector<16xi1> -> vector<16xi32>
      %masked_cummax3A_147 = arith.xori %masked_cummax3A_146, %masked_cummax3A_144 : vector<16xi32>
      %sub3A_148 = arith.subi %iota3A, %masked_cummax3A_147 : vector<16xi32>
      tpu.vector_store_idx %arg14[%masked_sort3A_129], %sub3A_148 : memref<16xi32, #tpu.memory_space<vmem>>[vector<16xi32>], vector<16xi32>,
      %get3A_149 = arith.constant 0 : index
      %get3A_150 = tpu.vector_load %arg14[%get3A_149] {strides = array<i32>} : memref<16xi32, #tpu.memory_space<vmem>>, vector<16xi32>,
      %add3A = arith.addi %gather3A, %get3A_150 : vector<16xi32>
      %mul3A_151 = arith.constant 16 : i32
      %mul3A_152 = arith.muli %scan3A_119, %mul3A_151 : i32
      %swap3A_153 = arith.index_cast %mul3A_152 : i32 to index
      %swap3A_154 = tpu.vector_load %arg7[%swap3A_153] {strides = array<i32>} : memref<1024xi32, #tpu.memory_space<vmem>>, vector<16xi32>,
      tpu.vector_store %arg7[%swap3A_153], %add3A {strides = array<i32>} : memref<1024xi32, #tpu.memory_space<vmem>>, vector<16xi32>,
      %swap3A_155 = arith.constant 0 : index
      %swap3A_156 = tpu.vector_load %arg15[%swap3A_155] {strides = array<i32>} : memref<16xi32, #tpu.memory_space<vmem>>, vector<16xi32>,
      tpu.vector_store %arg15[%swap3A_155], %gather3A {strides = array<i32>} : memref<16xi32, #tpu.memory_space<vmem>>, vector<16xi32>,
      %gather3A_157 = tpu.vector_load_idx %arg15[%masked_sort3A_129] : memref<16xi32, #tpu.memory_space<vmem>>[vector<16xi32>], vector<16xi32>,
      %jit3A_158 = arith.constant 1 : i32
      %jit3A_159 = arith.constant 0 : i32
      %broadcast_in_dim3A_160 = vector.broadcast %jit3A_158 : i32 to vector<16xi32>
      %broadcast_in_dim3A_161 = vector.broadcast %jit3A_159 : i32 to vector<16xi32>
      %select_n3A_162 = arith.select %or3A, %broadcast_in_dim3A_160, %broadcast_in_dim3A_161 : vector<16xi1>, vector<16xi32>
      %swap3A_163 = arith.constant 0 : index
      %swap3A_164 = tpu.vector_load %arg13[%swap3A_163] {strides = array<i32>} : memref<16xi32, #tpu.memory_space<vmem>>, vector<16xi32>,
      tpu.vector_store %arg13[%swap3A_163], %select_n3A_162 {strides = array<i32>} : memref<16xi32, #tpu.memory_space<vmem>>, vector<16xi32>,
      %add3A_165 = arith.constant 1 : i32
      %add3A_166 = vector.broadcast %add3A_165 : i32 to vector<16xi32>
      %add3A_167 = arith.addi %iota3A, %add3A_166 : vector<16xi32>
      %min3A = arith.constant 15 : i32
      %min3A_168 = vector.broadcast %min3A : i32 to vector<16xi32>
      %min3A_169 = arith.minsi %add3A_167, %min3A_168 : vector<16xi32>
      %gather3A_170 = tpu.vector_load_idx %arg13[%min3A_169] : memref<16xi32, #tpu.memory_space<vmem>>[vector<16xi32>], vector<16xi32>,
      %eq3A_171 = arith.constant 15 : i32
      %eq3A_172 = vector.broadcast %eq3A_171 : i32 to vector<16xi32>
      %eq3A_173 = arith.cmpi eq, %iota3A, %eq3A_172 : vector<16xi32>
      %eq3A_174 = arith.constant 1 : i32
      %eq3A_175 = vector.broadcast %eq3A_174 : i32 to vector<16xi32>
      %eq3A_176 = arith.cmpi eq, %gather3A_170, %eq3A_175 : vector<16xi32>
      %or3A_177 = arith.ori %eq3A_173, %eq3A_176 : vector<16xi1>
      %add3A_178 = arith.addi %gather3A_157, %sub3A_148 : vector<16xi32>
      %add3A_179 = arith.constant 1 : i32
      %add3A_180 = vector.broadcast %add3A_179 : i32 to vector<16xi32>
      %add3A_181 = arith.addi %add3A_178, %add3A_180 : vector<16xi32>
      tpu.vector_store_idx %arg8[%masked_sort3A_130], %add3A_181 masked %or3A_177 : memref<128xi32, #tpu.memory_space<vmem>>[vector<16xi32>], vector<16xi32>, vector<16xi1>
      %scan3A_182 = arith.constant 0 : i32
      scf.yield %scan3A_182 : i32
    }
    %scan3A_22 = arith.constant 64 : i32
    "tpu.region"() ({
      %run_scoped3A = tpu.sem_alloc : memref<!tpu.dma_semaphore, #tpu.memory_space<semaphore_mem>>
      %dma_start3A = arith.constant 0 : i32
      %dma_start3A_119 = tpu.memref_slice %arg10[%arg1, %dma_start3A] : memref<16x128xi32, #tpu.memory_space<vmem_shared>> -> memref<1x128xi32, #tpu.memory_space<vmem_shared>>
      %dma_start3A_120 = tpu.memref_squeeze %dma_start3A_119 : memref<1x128xi32, #tpu.memory_space<vmem_shared>> -> memref<128xi32, #tpu.memory_space<vmem_shared>>
      %dma_start3A_121 = arith.constant 0 : i32
      %dma_start3A_122 = tpu.memref_slice %arg10[%arg1, %dma_start3A_121] : memref<16x128xi32, #tpu.memory_space<vmem_shared>> -> memref<1x128xi32, #tpu.memory_space<vmem_shared>>
      %dma_start3A_123 = tpu.memref_squeeze %dma_start3A_122 : memref<1x128xi32, #tpu.memory_space<vmem_shared>> -> memref<128xi32, #tpu.memory_space<vmem_shared>>
      tpu.enqueue_dma source(%arg8 : memref<128xi32, #tpu.memory_space<vmem>>) target(%dma_start3A_123 : memref<128xi32, #tpu.memory_space<vmem_shared>>) target_semaphore(%run_scoped3A : memref<!tpu.dma_semaphore, #tpu.memory_space<semaphore_mem>>)
      %dma_wait3A = arith.constant 0 : i32
      %dma_wait3A_124 = tpu.memref_slice %arg10[%arg1, %dma_wait3A] : memref<16x128xi32, #tpu.memory_space<vmem_shared>> -> memref<1x128xi32, #tpu.memory_space<vmem_shared>>
      %dma_wait3A_125 = tpu.memref_squeeze %dma_wait3A_124 : memref<1x128xi32, #tpu.memory_space<vmem_shared>> -> memref<128xi32, #tpu.memory_space<vmem_shared>>
      %dma_wait3A_126 = arith.constant 0 : i32
      %dma_wait3A_127 = tpu.memref_slice %arg10[%arg1, %dma_wait3A_126] : memref<16x128xi32, #tpu.memory_space<vmem_shared>> -> memref<1x128xi32, #tpu.memory_space<vmem_shared>>
      %dma_wait3A_128 = tpu.memref_squeeze %dma_wait3A_127 : memref<1x128xi32, #tpu.memory_space<vmem_shared>> -> memref<128xi32, #tpu.memory_space<vmem_shared>>
      tpu.wait_dma2 semaphore(%run_scoped3A : memref<!tpu.dma_semaphore, #tpu.memory_space<semaphore_mem>>) src(%arg8 : memref<128xi32, #tpu.memory_space<vmem>>) dst(%dma_wait3A_128 : memref<128xi32, #tpu.memory_space<vmem_shared>>)
      tpu.yield
    }) : () -> ()
    %barrier3A = arith.constant 0 : index
    tpu.barrier barrier_id(%barrier3A)
    "tpu.region"() ({
      %run_scoped3A = tpu.sem_alloc : memref<!tpu.dma_semaphore, #tpu.memory_space<semaphore_mem>>
      tpu.enqueue_dma source(%arg10 : memref<16x128xi32, #tpu.memory_space<vmem_shared>>) target(%arg9 : memref<16x128xi32, #tpu.memory_space<vmem>>) target_semaphore(%run_scoped3A : memref<!tpu.dma_semaphore, #tpu.memory_space<semaphore_mem>>)
      tpu.wait_dma2 semaphore(%run_scoped3A : memref<!tpu.dma_semaphore, #tpu.memory_space<semaphore_mem>>) src(%arg10 : memref<16x128xi32, #tpu.memory_space<vmem_shared>>) dst(%arg9 : memref<16x128xi32, #tpu.memory_space<vmem>>)
      tpu.yield
    }) : () -> ()
    %scan3A_23 = arith.constant 0 : i32
    %scan3A_24 = arith.constant 16 : i32
    %scan3A_25 = arith.addi %scan3A_23, %scan3A_24 : i32
    %scan3A_26 = arith.constant 1 : i32
    %scan3A_27:2 = scf.for %scan3A_119 = %scan3A_23 to %scan3A_25 step %scan3A_26 iter_args(%scan3A_120 = %broadcast_in_dim3A_1, %scan3A_121 = %broadcast_in_dim3A_1) -> (vector<16xi32>, vector<16xi32>)  : i32 {
      %get3A = arith.index_cast %scan3A_119 : i32 to index
      %get3A_122 = arith.constant 0 : index
      %get3A_123 = tpu.vector_load %arg9[%get3A, %get3A_122] {strides = array<i32>} : memref<16x128xi32, #tpu.memory_space<vmem>>, vector<16xi32>,
      %lt3A = arith.cmpi slt, %scan3A_119, %arg1 : i32
      %jit3A = arith.constant 1 : i32
      %jit3A_124 = arith.constant 0 : i32
      %select_n3A = arith.select %lt3A, %jit3A, %jit3A_124 : i32
      %mul3A_125 = vector.broadcast %select_n3A : i32 to vector<16xi32>
      %mul3A_126 = arith.muli %get3A_123, %mul3A_125 : vector<16xi32>
      %add3A = arith.addi %scan3A_120, %mul3A_126 : vector<16xi32>
      %add3A_127 = arith.addi %scan3A_121, %get3A_123 : vector<16xi32>
      scf.yield %add3A, %add3A_127 : vector<16xi32>, vector<16xi32>
    }
    %scan3A_28 = arith.constant 16 : i32
    %swap3A_29 = arith.constant 0 : index
    %swap3A_30 = tpu.vector_load %arg11[%swap3A_29] {strides = array<i32>} : memref<128xi32, #tpu.memory_space<vmem>>, vector<16xi32>,
    tpu.vector_store %arg11[%swap3A_29], %scan3A_27#0 {strides = array<i32>} : memref<128xi32, #tpu.memory_space<vmem>>, vector<16xi32>,
    %swap3A_31 = arith.constant 0 : index
    %swap3A_32 = tpu.vector_load %arg12[%swap3A_31] {strides = array<i32>} : memref<128xi32, #tpu.memory_space<vmem>>, vector<16xi32>,
    tpu.vector_store %arg12[%swap3A_31], %scan3A_27#1 {strides = array<i32>} : memref<128xi32, #tpu.memory_space<vmem>>, vector<16xi32>,
    %scan3A_33 = arith.constant 0 : i32
    %scan3A_34 = arith.constant 16 : i32
    %scan3A_35 = arith.addi %scan3A_33, %scan3A_34 : i32
    %scan3A_36 = arith.constant 1 : i32
    %scan3A_37:2 = scf.for %scan3A_119 = %scan3A_33 to %scan3A_35 step %scan3A_36 iter_args(%scan3A_120 = %broadcast_in_dim3A_1, %scan3A_121 = %broadcast_in_dim3A_1) -> (vector<16xi32>, vector<16xi32>)  : i32 {
      %get3A = arith.index_cast %scan3A_119 : i32 to index
      %get3A_122 = arith.constant 16 : index
      %get3A_123 = tpu.vector_load %arg9[%get3A, %get3A_122] {strides = array<i32>} : memref<16x128xi32, #tpu.memory_space<vmem>>, vector<16xi32>,
      %lt3A = arith.cmpi slt, %scan3A_119, %arg1 : i32
      %jit3A = arith.constant 1 : i32
      %jit3A_124 = arith.constant 0 : i32
      %select_n3A = arith.select %lt3A, %jit3A, %jit3A_124 : i32
      %mul3A_125 = vector.broadcast %select_n3A : i32 to vector<16xi32>
      %mul3A_126 = arith.muli %get3A_123, %mul3A_125 : vector<16xi32>
      %add3A = arith.addi %scan3A_120, %mul3A_126 : vector<16xi32>
      %add3A_127 = arith.addi %scan3A_121, %get3A_123 : vector<16xi32>
      scf.yield %add3A, %add3A_127 : vector<16xi32>, vector<16xi32>
    }
    %scan3A_38 = arith.constant 16 : i32
    %swap3A_39 = arith.constant 16 : index
    %swap3A_40 = tpu.vector_load %arg11[%swap3A_39] {strides = array<i32>} : memref<128xi32, #tpu.memory_space<vmem>>, vector<16xi32>,
    tpu.vector_store %arg11[%swap3A_39], %scan3A_37#0 {strides = array<i32>} : memref<128xi32, #tpu.memory_space<vmem>>, vector<16xi32>,
    %swap3A_41 = arith.constant 16 : index
    %swap3A_42 = tpu.vector_load %arg12[%swap3A_41] {strides = array<i32>} : memref<128xi32, #tpu.memory_space<vmem>>, vector<16xi32>,
    tpu.vector_store %arg12[%swap3A_41], %scan3A_37#1 {strides = array<i32>} : memref<128xi32, #tpu.memory_space<vmem>>, vector<16xi32>,
    %scan3A_43 = arith.constant 0 : i32
    %scan3A_44 = arith.constant 16 : i32
    %scan3A_45 = arith.addi %scan3A_43, %scan3A_44 : i32
    %scan3A_46 = arith.constant 1 : i32
    %scan3A_47:2 = scf.for %scan3A_119 = %scan3A_43 to %scan3A_45 step %scan3A_46 iter_args(%scan3A_120 = %broadcast_in_dim3A_1, %scan3A_121 = %broadcast_in_dim3A_1) -> (vector<16xi32>, vector<16xi32>)  : i32 {
      %get3A = arith.index_cast %scan3A_119 : i32 to index
      %get3A_122 = arith.constant 32 : index
      %get3A_123 = tpu.vector_load %arg9[%get3A, %get3A_122] {strides = array<i32>} : memref<16x128xi32, #tpu.memory_space<vmem>>, vector<16xi32>,
      %lt3A = arith.cmpi slt, %scan3A_119, %arg1 : i32
      %jit3A = arith.constant 1 : i32
      %jit3A_124 = arith.constant 0 : i32
      %select_n3A = arith.select %lt3A, %jit3A, %jit3A_124 : i32
      %mul3A_125 = vector.broadcast %select_n3A : i32 to vector<16xi32>
      %mul3A_126 = arith.muli %get3A_123, %mul3A_125 : vector<16xi32>
      %add3A = arith.addi %scan3A_120, %mul3A_126 : vector<16xi32>
      %add3A_127 = arith.addi %scan3A_121, %get3A_123 : vector<16xi32>
      scf.yield %add3A, %add3A_127 : vector<16xi32>, vector<16xi32>
    }
    %scan3A_48 = arith.constant 16 : i32
    %swap3A_49 = arith.constant 32 : index
    %swap3A_50 = tpu.vector_load %arg11[%swap3A_49] {strides = array<i32>} : memref<128xi32, #tpu.memory_space<vmem>>, vector<16xi32>,
    tpu.vector_store %arg11[%swap3A_49], %scan3A_47#0 {strides = array<i32>} : memref<128xi32, #tpu.memory_space<vmem>>, vector<16xi32>,
    %swap3A_51 = arith.constant 32 : index
    %swap3A_52 = tpu.vector_load %arg12[%swap3A_51] {strides = array<i32>} : memref<128xi32, #tpu.memory_space<vmem>>, vector<16xi32>,
    tpu.vector_store %arg12[%swap3A_51], %scan3A_47#1 {strides = array<i32>} : memref<128xi32, #tpu.memory_space<vmem>>, vector<16xi32>,
    %scan3A_53 = arith.constant 0 : i32
    %scan3A_54 = arith.constant 16 : i32
    %scan3A_55 = arith.addi %scan3A_53, %scan3A_54 : i32
    %scan3A_56 = arith.constant 1 : i32
    %scan3A_57:2 = scf.for %scan3A_119 = %scan3A_53 to %scan3A_55 step %scan3A_56 iter_args(%scan3A_120 = %broadcast_in_dim3A_1, %scan3A_121 = %broadcast_in_dim3A_1) -> (vector<16xi32>, vector<16xi32>)  : i32 {
      %get3A = arith.index_cast %scan3A_119 : i32 to index
      %get3A_122 = arith.constant 48 : index
      %get3A_123 = tpu.vector_load %arg9[%get3A, %get3A_122] {strides = array<i32>} : memref<16x128xi32, #tpu.memory_space<vmem>>, vector<16xi32>,
      %lt3A = arith.cmpi slt, %scan3A_119, %arg1 : i32
      %jit3A = arith.constant 1 : i32
      %jit3A_124 = arith.constant 0 : i32
      %select_n3A = arith.select %lt3A, %jit3A, %jit3A_124 : i32
      %mul3A_125 = vector.broadcast %select_n3A : i32 to vector<16xi32>
      %mul3A_126 = arith.muli %get3A_123, %mul3A_125 : vector<16xi32>
      %add3A = arith.addi %scan3A_120, %mul3A_126 : vector<16xi32>
      %add3A_127 = arith.addi %scan3A_121, %get3A_123 : vector<16xi32>
      scf.yield %add3A, %add3A_127 : vector<16xi32>, vector<16xi32>
    }
    %scan3A_58 = arith.constant 16 : i32
    %swap3A_59 = arith.constant 48 : index
    %swap3A_60 = tpu.vector_load %arg11[%swap3A_59] {strides = array<i32>} : memref<128xi32, #tpu.memory_space<vmem>>, vector<16xi32>,
    tpu.vector_store %arg11[%swap3A_59], %scan3A_57#0 {strides = array<i32>} : memref<128xi32, #tpu.memory_space<vmem>>, vector<16xi32>,
    %swap3A_61 = arith.constant 48 : index
    %swap3A_62 = tpu.vector_load %arg12[%swap3A_61] {strides = array<i32>} : memref<128xi32, #tpu.memory_space<vmem>>, vector<16xi32>,
    tpu.vector_store %arg12[%swap3A_61], %scan3A_57#1 {strides = array<i32>} : memref<128xi32, #tpu.memory_space<vmem>>, vector<16xi32>,
    %scan3A_63 = arith.constant 0 : i32
    %scan3A_64 = arith.constant 16 : i32
    %scan3A_65 = arith.addi %scan3A_63, %scan3A_64 : i32
    %scan3A_66 = arith.constant 1 : i32
    %scan3A_67:2 = scf.for %scan3A_119 = %scan3A_63 to %scan3A_65 step %scan3A_66 iter_args(%scan3A_120 = %broadcast_in_dim3A_1, %scan3A_121 = %broadcast_in_dim3A_1) -> (vector<16xi32>, vector<16xi32>)  : i32 {
      %get3A = arith.index_cast %scan3A_119 : i32 to index
      %get3A_122 = arith.constant 64 : index
      %get3A_123 = tpu.vector_load %arg9[%get3A, %get3A_122] {strides = array<i32>} : memref<16x128xi32, #tpu.memory_space<vmem>>, vector<16xi32>,
      %lt3A = arith.cmpi slt, %scan3A_119, %arg1 : i32
      %jit3A = arith.constant 1 : i32
      %jit3A_124 = arith.constant 0 : i32
      %select_n3A = arith.select %lt3A, %jit3A, %jit3A_124 : i32
      %mul3A_125 = vector.broadcast %select_n3A : i32 to vector<16xi32>
      %mul3A_126 = arith.muli %get3A_123, %mul3A_125 : vector<16xi32>
      %add3A = arith.addi %scan3A_120, %mul3A_126 : vector<16xi32>
      %add3A_127 = arith.addi %scan3A_121, %get3A_123 : vector<16xi32>
      scf.yield %add3A, %add3A_127 : vector<16xi32>, vector<16xi32>
    }
    %scan3A_68 = arith.constant 16 : i32
    %swap3A_69 = arith.constant 64 : index
    %swap3A_70 = tpu.vector_load %arg11[%swap3A_69] {strides = array<i32>} : memref<128xi32, #tpu.memory_space<vmem>>, vector<16xi32>,
    tpu.vector_store %arg11[%swap3A_69], %scan3A_67#0 {strides = array<i32>} : memref<128xi32, #tpu.memory_space<vmem>>, vector<16xi32>,
    %swap3A_71 = arith.constant 64 : index
    %swap3A_72 = tpu.vector_load %arg12[%swap3A_71] {strides = array<i32>} : memref<128xi32, #tpu.memory_space<vmem>>, vector<16xi32>,
    tpu.vector_store %arg12[%swap3A_71], %scan3A_67#1 {strides = array<i32>} : memref<128xi32, #tpu.memory_space<vmem>>, vector<16xi32>,
    %scan3A_73 = arith.constant 0 : i32
    %scan3A_74 = arith.constant 16 : i32
    %scan3A_75 = arith.addi %scan3A_73, %scan3A_74 : i32
    %scan3A_76 = arith.constant 1 : i32
    %scan3A_77:2 = scf.for %scan3A_119 = %scan3A_73 to %scan3A_75 step %scan3A_76 iter_args(%scan3A_120 = %broadcast_in_dim3A_1, %scan3A_121 = %broadcast_in_dim3A_1) -> (vector<16xi32>, vector<16xi32>)  : i32 {
      %get3A = arith.index_cast %scan3A_119 : i32 to index
      %get3A_122 = arith.constant 80 : index
      %get3A_123 = tpu.vector_load %arg9[%get3A, %get3A_122] {strides = array<i32>} : memref<16x128xi32, #tpu.memory_space<vmem>>, vector<16xi32>,
      %lt3A = arith.cmpi slt, %scan3A_119, %arg1 : i32
      %jit3A = arith.constant 1 : i32
      %jit3A_124 = arith.constant 0 : i32
      %select_n3A = arith.select %lt3A, %jit3A, %jit3A_124 : i32
      %mul3A_125 = vector.broadcast %select_n3A : i32 to vector<16xi32>
      %mul3A_126 = arith.muli %get3A_123, %mul3A_125 : vector<16xi32>
      %add3A = arith.addi %scan3A_120, %mul3A_126 : vector<16xi32>
      %add3A_127 = arith.addi %scan3A_121, %get3A_123 : vector<16xi32>
      scf.yield %add3A, %add3A_127 : vector<16xi32>, vector<16xi32>
    }
    %scan3A_78 = arith.constant 16 : i32
    %swap3A_79 = arith.constant 80 : index
    %swap3A_80 = tpu.vector_load %arg11[%swap3A_79] {strides = array<i32>} : memref<128xi32, #tpu.memory_space<vmem>>, vector<16xi32>,
    tpu.vector_store %arg11[%swap3A_79], %scan3A_77#0 {strides = array<i32>} : memref<128xi32, #tpu.memory_space<vmem>>, vector<16xi32>,
    %swap3A_81 = arith.constant 80 : index
    %swap3A_82 = tpu.vector_load %arg12[%swap3A_81] {strides = array<i32>} : memref<128xi32, #tpu.memory_space<vmem>>, vector<16xi32>,
    tpu.vector_store %arg12[%swap3A_81], %scan3A_77#1 {strides = array<i32>} : memref<128xi32, #tpu.memory_space<vmem>>, vector<16xi32>,
    %scan3A_83 = arith.constant 0 : i32
    %scan3A_84 = arith.constant 16 : i32
    %scan3A_85 = arith.addi %scan3A_83, %scan3A_84 : i32
    %scan3A_86 = arith.constant 1 : i32
    %scan3A_87:2 = scf.for %scan3A_119 = %scan3A_83 to %scan3A_85 step %scan3A_86 iter_args(%scan3A_120 = %broadcast_in_dim3A_1, %scan3A_121 = %broadcast_in_dim3A_1) -> (vector<16xi32>, vector<16xi32>)  : i32 {
      %get3A = arith.index_cast %scan3A_119 : i32 to index
      %get3A_122 = arith.constant 96 : index
      %get3A_123 = tpu.vector_load %arg9[%get3A, %get3A_122] {strides = array<i32>} : memref<16x128xi32, #tpu.memory_space<vmem>>, vector<16xi32>,
      %lt3A = arith.cmpi slt, %scan3A_119, %arg1 : i32
      %jit3A = arith.constant 1 : i32
      %jit3A_124 = arith.constant 0 : i32
      %select_n3A = arith.select %lt3A, %jit3A, %jit3A_124 : i32
      %mul3A_125 = vector.broadcast %select_n3A : i32 to vector<16xi32>
      %mul3A_126 = arith.muli %get3A_123, %mul3A_125 : vector<16xi32>
      %add3A = arith.addi %scan3A_120, %mul3A_126 : vector<16xi32>
      %add3A_127 = arith.addi %scan3A_121, %get3A_123 : vector<16xi32>
      scf.yield %add3A, %add3A_127 : vector<16xi32>, vector<16xi32>
    }
    %scan3A_88 = arith.constant 16 : i32
    %swap3A_89 = arith.constant 96 : index
    %swap3A_90 = tpu.vector_load %arg11[%swap3A_89] {strides = array<i32>} : memref<128xi32, #tpu.memory_space<vmem>>, vector<16xi32>,
    tpu.vector_store %arg11[%swap3A_89], %scan3A_87#0 {strides = array<i32>} : memref<128xi32, #tpu.memory_space<vmem>>, vector<16xi32>,
    %swap3A_91 = arith.constant 96 : index
    %swap3A_92 = tpu.vector_load %arg12[%swap3A_91] {strides = array<i32>} : memref<128xi32, #tpu.memory_space<vmem>>, vector<16xi32>,
    tpu.vector_store %arg12[%swap3A_91], %scan3A_87#1 {strides = array<i32>} : memref<128xi32, #tpu.memory_space<vmem>>, vector<16xi32>,
    %scan3A_93 = arith.constant 0 : i32
    %scan3A_94 = arith.constant 16 : i32
    %scan3A_95 = arith.addi %scan3A_93, %scan3A_94 : i32
    %scan3A_96 = arith.constant 1 : i32
    %scan3A_97:2 = scf.for %scan3A_119 = %scan3A_93 to %scan3A_95 step %scan3A_96 iter_args(%scan3A_120 = %broadcast_in_dim3A_1, %scan3A_121 = %broadcast_in_dim3A_1) -> (vector<16xi32>, vector<16xi32>)  : i32 {
      %get3A = arith.index_cast %scan3A_119 : i32 to index
      %get3A_122 = arith.constant 112 : index
      %get3A_123 = tpu.vector_load %arg9[%get3A, %get3A_122] {strides = array<i32>} : memref<16x128xi32, #tpu.memory_space<vmem>>, vector<16xi32>,
      %lt3A = arith.cmpi slt, %scan3A_119, %arg1 : i32
      %jit3A = arith.constant 1 : i32
      %jit3A_124 = arith.constant 0 : i32
      %select_n3A = arith.select %lt3A, %jit3A, %jit3A_124 : i32
      %mul3A_125 = vector.broadcast %select_n3A : i32 to vector<16xi32>
      %mul3A_126 = arith.muli %get3A_123, %mul3A_125 : vector<16xi32>
      %add3A = arith.addi %scan3A_120, %mul3A_126 : vector<16xi32>
      %add3A_127 = arith.addi %scan3A_121, %get3A_123 : vector<16xi32>
      scf.yield %add3A, %add3A_127 : vector<16xi32>, vector<16xi32>
    }
    %scan3A_98 = arith.constant 16 : i32
    %swap3A_99 = arith.constant 112 : index
    %swap3A_100 = tpu.vector_load %arg11[%swap3A_99] {strides = array<i32>} : memref<128xi32, #tpu.memory_space<vmem>>, vector<16xi32>,
    tpu.vector_store %arg11[%swap3A_99], %scan3A_97#0 {strides = array<i32>} : memref<128xi32, #tpu.memory_space<vmem>>, vector<16xi32>,
    %swap3A_101 = arith.constant 112 : index
    %swap3A_102 = tpu.vector_load %arg12[%swap3A_101] {strides = array<i32>} : memref<128xi32, #tpu.memory_space<vmem>>, vector<16xi32>,
    tpu.vector_store %arg12[%swap3A_101], %scan3A_97#1 {strides = array<i32>} : memref<128xi32, #tpu.memory_space<vmem>>, vector<16xi32>,
    %eq3A = arith.constant 0 : i32
    %eq3A_103 = arith.cmpi eq, %arg0, %eq3A : i32
    %eq3A_104 = arith.constant 0 : i32
    %eq3A_105 = arith.cmpi eq, %arg1, %eq3A_104 : i32
    %and3A = arith.andi %eq3A_103, %eq3A_105 : i1
    %convert_element_type3A = arith.extui %and3A : i1 to i32
    %cond3A = arith.constant 0 : i32
    %cond3A_106 = arith.cmpi ne, %convert_element_type3A, %cond3A : i32
    scf.if %cond3A_106 {
      "tpu.region"() ({
        %run_scoped3A = tpu.sem_alloc : memref<!tpu.dma_semaphore, #tpu.memory_space<semaphore_mem>>
        tpu.enqueue_dma source(%arg12 : memref<128xi32, #tpu.memory_space<vmem>>) target(%arg5 : memref<128xi32, #tpu.memory_space<hbm>>) target_semaphore(%run_scoped3A : memref<!tpu.dma_semaphore, #tpu.memory_space<semaphore_mem>>)
        tpu.wait_dma2 semaphore(%run_scoped3A : memref<!tpu.dma_semaphore, #tpu.memory_space<semaphore_mem>>) src(%arg12 : memref<128xi32, #tpu.memory_space<vmem>>) dst(%arg5 : memref<128xi32, #tpu.memory_space<hbm>>)
        tpu.yield
      }) : () -> ()
    } else {
    }
    %scan3A_107 = arith.constant 0 : i32
    %scan3A_108 = arith.constant 0 : i32
    %scan3A_109 = arith.constant 64 : i32
    %scan3A_110 = arith.addi %scan3A_108, %scan3A_109 : i32
    %scan3A_111 = arith.constant 1 : i32
    %scan3A_112 = scf.for %scan3A_119 = %scan3A_108 to %scan3A_110 step %scan3A_111 iter_args(%scan3A_120 = %scan3A_107) -> (i32)  : i32 {
      %mul3A_121 = arith.constant 16 : i32
      %mul3A_122 = arith.muli %scan3A_119, %mul3A_121 : i32
      %get3A = arith.index_cast %mul3A_122 : i32 to index
      %get3A_123 = tpu.vector_load %arg6[%get3A] {strides = array<i32>} : memref<1024xi32, #tpu.memory_space<vmem>>, vector<16xi32>,
      %mul3A_124 = arith.constant 16 : i32
      %mul3A_125 = arith.muli %scan3A_119, %mul3A_124 : i32
      %get3A_126 = arith.index_cast %mul3A_125 : i32 to index
      %get3A_127 = tpu.vector_load %arg7[%get3A_126] {strides = array<i32>} : memref<1024xi32, #tpu.memory_space<vmem>>, vector<16xi32>,
      %gather3A = tpu.vector_load_idx %arg11[%get3A_123] : memref<128xi32, #tpu.memory_space<vmem>>[vector<16xi32>], vector<16xi32>,
      %add3A = arith.addi %get3A_127, %gather3A : vector<16xi32>
      %gather3A_128 = tpu.vector_load_idx %arg12[%get3A_123] : memref<128xi32, #tpu.memory_space<vmem>>[vector<16xi32>], vector<16xi32>,
      %shift_right_arithmetic3A = arith.constant 1 : i32
      %shift_right_arithmetic3A_129 = vector.broadcast %shift_right_arithmetic3A : i32 to vector<16xi32>
      %shift_right_arithmetic3A_130 = arith.shrsi %gather3A_128, %shift_right_arithmetic3A_129 : vector<16xi32>
      %ge3A = arith.constant 10 : i32
      %ge3A_131 = vector.broadcast %ge3A : i32 to vector<16xi32>
      %ge3A_132 = arith.cmpi sge, %gather3A_128, %ge3A_131 : vector<16xi32>
      %lt3A = arith.cmpi slt, %add3A, %shift_right_arithmetic3A_130 : vector<16xi32>
      %and3A_133 = arith.andi %ge3A_132, %lt3A : vector<16xi1>
      %jit3A = arith.constant 128 : i32
      %broadcast_in_dim3A_134 = vector.broadcast %jit3A : i32 to vector<16xi32>
      %select_n3A = arith.select %and3A_133, %get3A_123, %broadcast_in_dim3A_134 : vector<16xi1>, vector<16xi32>
      %mul3A_135 = arith.constant 16 : i32
      %mul3A_136 = arith.muli %scan3A_119, %mul3A_135 : i32
      %swap3A_137 = arith.index_cast %mul3A_136 : i32 to index
      %swap3A_138 = tpu.vector_load %arg16[%swap3A_137] {strides = array<i32>} : memref<1024xi32, #tpu.memory_space<vmem>>, vector<16xi32>,
      tpu.vector_store %arg16[%swap3A_137], %select_n3A {strides = array<i32>} : memref<1024xi32, #tpu.memory_space<vmem>>, vector<16xi32>,
      %ge3A_139 = arith.cmpi sge, %add3A, %shift_right_arithmetic3A_130 : vector<16xi32>
      %and3A_140 = arith.andi %ge3A_132, %ge3A_139 : vector<16xi1>
      %jit3A_141 = arith.constant 128 : i32
      %broadcast_in_dim3A_142 = vector.broadcast %jit3A_141 : i32 to vector<16xi32>
      %select_n3A_143 = arith.select %and3A_140, %get3A_123, %broadcast_in_dim3A_142 : vector<16xi1>, vector<16xi32>
      %mul3A_144 = arith.constant 16 : i32
      %mul3A_145 = arith.muli %scan3A_119, %mul3A_144 : i32
      %swap3A_146 = arith.index_cast %mul3A_145 : i32 to index
      %swap3A_147 = tpu.vector_load %arg17[%swap3A_146] {strides = array<i32>} : memref<1024xi32, #tpu.memory_space<vmem>>, vector<16xi32>,
      tpu.vector_store %arg17[%swap3A_146], %select_n3A_143 {strides = array<i32>} : memref<1024xi32, #tpu.memory_space<vmem>>, vector<16xi32>,
      %scan3A_148 = arith.constant 0 : i32
      scf.yield %scan3A_148 : i32
    }
    %scan3A_113 = arith.constant 64 : i32
    %eq3A_114 = arith.constant 0 : i32
    %eq3A_115 = arith.cmpi eq, %arg0, %eq3A_114 : i32
    %convert_element_type3A_116 = arith.extui %eq3A_115 : i1 to i32
    %cond3A_117 = arith.constant 0 : i32
    %cond3A_118 = arith.cmpi ne, %convert_element_type3A_116, %cond3A_117 : i32
    scf.if %cond3A_118 {
      "tpu.region"() ({
        %run_scoped3A = tpu.sem_alloc : memref<!tpu.dma_semaphore, #tpu.memory_space<semaphore_mem>>
        %dma_start3A = tpu.memref_slice %arg3[%mul3A_0] : memref<16384xi32, #tpu.memory_space<hbm>> -> memref<1024xi32, #tpu.memory_space<hbm>>
        %dma_start3A_119 = tpu.memref_slice %arg3[%mul3A_0] : memref<16384xi32, #tpu.memory_space<hbm>> -> memref<1024xi32, #tpu.memory_space<hbm>>
        tpu.enqueue_dma source(%arg16 : memref<1024xi32, #tpu.memory_space<vmem>>) target(%dma_start3A_119 : memref<1024xi32, #tpu.memory_space<hbm>>) target_semaphore(%run_scoped3A : memref<!tpu.dma_semaphore, #tpu.memory_space<semaphore_mem>>)
        %dma_wait3A = tpu.memref_slice %arg3[%mul3A_0] : memref<16384xi32, #tpu.memory_space<hbm>> -> memref<1024xi32, #tpu.memory_space<hbm>>
        %dma_wait3A_120 = tpu.memref_slice %arg3[%mul3A_0] : memref<16384xi32, #tpu.memory_space<hbm>> -> memref<1024xi32, #tpu.memory_space<hbm>>
        tpu.wait_dma2 semaphore(%run_scoped3A : memref<!tpu.dma_semaphore, #tpu.memory_space<semaphore_mem>>) src(%arg16 : memref<1024xi32, #tpu.memory_space<vmem>>) dst(%dma_wait3A_120 : memref<1024xi32, #tpu.memory_space<hbm>>)
        tpu.yield
      }) : () -> ()
      "tpu.region"() ({
        %run_scoped3A = tpu.sem_alloc : memref<!tpu.dma_semaphore, #tpu.memory_space<semaphore_mem>>
        %dma_start3A = tpu.memref_slice %arg4[%mul3A_0] : memref<16384xi32, #tpu.memory_space<hbm>> -> memref<1024xi32, #tpu.memory_space<hbm>>
        %dma_start3A_119 = tpu.memref_slice %arg4[%mul3A_0] : memref<16384xi32, #tpu.memory_space<hbm>> -> memref<1024xi32, #tpu.memory_space<hbm>>
        tpu.enqueue_dma source(%arg17 : memref<1024xi32, #tpu.memory_space<vmem>>) target(%dma_start3A_119 : memref<1024xi32, #tpu.memory_space<hbm>>) target_semaphore(%run_scoped3A : memref<!tpu.dma_semaphore, #tpu.memory_space<semaphore_mem>>)
        %dma_wait3A = tpu.memref_slice %arg4[%mul3A_0] : memref<16384xi32, #tpu.memory_space<hbm>> -> memref<1024xi32, #tpu.memory_space<hbm>>
        %dma_wait3A_120 = tpu.memref_slice %arg4[%mul3A_0] : memref<16384xi32, #tpu.memory_space<hbm>> -> memref<1024xi32, #tpu.memory_space<hbm>>
        tpu.wait_dma2 semaphore(%run_scoped3A : memref<!tpu.dma_semaphore, #tpu.memory_space<semaphore_mem>>) src(%arg17 : memref<1024xi32, #tpu.memory_space<vmem>>) dst(%dma_wait3A_120 : memref<1024xi32, #tpu.memory_space<hbm>>)
        tpu.yield
      }) : () -> ()
    } else {
    }
    return
  }
}

module attributes {stable_mosaic.version = 14 : i64} {
  func.func @_tc_body(%arg0: memref<8x2048x32xf32, #tpu.memory_space<vmem>>, %arg1: memref<8x2048xi32, #tpu.memory_space<vmem>>, %arg2: memref<8x2048xi32, #tpu.memory_space<vmem>>, %arg3: memref<1x128xi32, #tpu.memory_space<vmem>>, %arg4: memref<1x2xf32, #tpu.memory_space<vmem>>) attributes {dimension_semantics = [], scalar_prefetch = 0 : i64, scratch_operands = 0 : i64, tpu.core_type = #tpu.core_type<tc>} {
    %iota3A = tpu.iota {dimensions = array<i32: 1>} : vector<1x128xi32>
    %get3A = arith.constant 0 : index
    %get3A_0 = arith.constant 0 : index
    %get3A_1 = vector.load %arg3[%get3A, %get3A_0] : memref<1x128xi32, #tpu.memory_space<vmem>>, vector<1x128xi32>
    %convert_element_type3A = arith.sitofp %get3A_1 : vector<1x128xi32> to vector<1x128xf32>
    %mul3A = arith.constant 5.000000e-01 : f32
    %mul3A_2 = vector.broadcast %mul3A : f32 to vector<1x128xf32>
    %mul3A_3 = arith.mulf %convert_element_type3A, %mul3A_2 : vector<1x128xf32>
    %floor3A = math.floor %mul3A_3 : vector<1x128xf32>
    %ge3A = arith.constant 1.000000e+01 : f32
    %ge3A_4 = vector.broadcast %ge3A : f32 to vector<1x128xf32>
    %ge3A_5 = arith.cmpf oge, %convert_element_type3A, %ge3A_4 : vector<1x128xf32>
    %iota3A_6 = tpu.iota {dimensions = array<i32: 0>} : vector<128x2048xi32>
    %broadcast_in_dim3A = arith.constant 0.000000e+00 : f32
    %broadcast_in_dim3A_7 = vector.broadcast %broadcast_in_dim3A : f32 to vector<128x32xf32>
    %get3A_8 = arith.constant 0 : index
    %get3A_9 = arith.constant 0 : index
    %get3A_10 = vector.load %arg1[%get3A_8, %get3A_9] : memref<8x2048xi32, #tpu.memory_space<vmem>>, vector<1x2048xi32>
    %get3A_11 = vector.shape_cast %get3A_10 : vector<1x2048xi32> to vector<2048xi32>
    %broadcast_in_dim3A_12 = vector.shape_cast %get3A_11 : vector<2048xi32> to vector<1x2048xi32>
    %eq3A = vector.broadcast %broadcast_in_dim3A_12 : vector<1x2048xi32> to vector<128x2048xi32>
    %eq3A_13 = arith.cmpi eq, %iota3A_6, %eq3A : vector<128x2048xi32>
    %convert_element_type3A_14 = arith.extui %eq3A_13 : vector<128x2048xi1> to vector<128x2048xi32>
    %convert_element_type3A_15 = arith.sitofp %convert_element_type3A_14 : vector<128x2048xi32> to vector<128x2048xf32>
    %convert_element_type3A_16 = arith.truncf %convert_element_type3A_15 : vector<128x2048xf32> to vector<128x2048xbf16>
    %get3A_17 = arith.constant 0 : index
    %get3A_18 = arith.constant 0 : index
    %get3A_19 = arith.constant 0 : index
    %get3A_20 = vector.load %arg0[%get3A_17, %get3A_18, %get3A_19] : memref<8x2048x32xf32, #tpu.memory_space<vmem>>, vector<1x2048x32xf32>
    %get3A_21 = vector.shape_cast %get3A_20 : vector<1x2048x32xf32> to vector<2048x32xf32>
    %convert_element_type3A_22 = arith.truncf %get3A_21 : vector<2048x32xf32> to vector<2048x32xbf16>
    %convert_element_type3A_23 = arith.extf %convert_element_type3A_22 : vector<2048x32xbf16> to vector<2048x32xf32>
    %sub3A = arith.subf %get3A_21, %convert_element_type3A_23 : vector<2048x32xf32>
    %convert_element_type3A_24 = arith.truncf %sub3A : vector<2048x32xf32> to vector<2048x32xbf16>
    %convert_element_type3A_25 = arith.extf %convert_element_type3A_24 : vector<2048x32xbf16> to vector<2048x32xf32>
    %sub3A_26 = arith.subf %sub3A, %convert_element_type3A_25 : vector<2048x32xf32>
    %convert_element_type3A_27 = arith.truncf %sub3A_26 : vector<2048x32xf32> to vector<2048x32xbf16>
    %dot_general3A = arith.constant dense<0.000000e+00> : vector<128x32xf32>
    %dot_general3A_28 = tpu.matmul %convert_element_type3A_16, %convert_element_type3A_22, %dot_general3A {dimension_numbers = #tpu.dot_dimension_numbers<[1], [0], [0], [1], [0, 0, 1, 1], [], []>, transpose_lhs_hint = false} : vector<128x2048xbf16>, vector<2048x32xbf16>, vector<128x32xf32> -> vector<128x32xf32>
    %add3A = arith.addf %broadcast_in_dim3A_7, %dot_general3A_28 : vector<128x32xf32>
    %dot_general3A_29 = arith.constant dense<0.000000e+00> : vector<128x32xf32>
    %dot_general3A_30 = tpu.matmul %convert_element_type3A_16, %convert_element_type3A_24, %dot_general3A_29 {dimension_numbers = #tpu.dot_dimension_numbers<[1], [0], [0], [1], [0, 0, 1, 1], [], []>, transpose_lhs_hint = false} : vector<128x2048xbf16>, vector<2048x32xbf16>, vector<128x32xf32> -> vector<128x32xf32>
    %add3A_31 = arith.addf %add3A, %dot_general3A_30 : vector<128x32xf32>
    %dot_general3A_32 = arith.constant dense<0.000000e+00> : vector<128x32xf32>
    %dot_general3A_33 = tpu.matmul %convert_element_type3A_16, %convert_element_type3A_27, %dot_general3A_32 {dimension_numbers = #tpu.dot_dimension_numbers<[1], [0], [0], [1], [0, 0, 1, 1], [], []>, transpose_lhs_hint = false} : vector<128x2048xbf16>, vector<2048x32xbf16>, vector<128x32xf32> -> vector<128x32xf32>
    %add3A_34 = arith.addf %add3A_31, %dot_general3A_33 : vector<128x32xf32>
    %get3A_35 = arith.constant 1 : index
    %get3A_36 = arith.constant 0 : index
    %get3A_37 = vector.load %arg1[%get3A_35, %get3A_36] : memref<8x2048xi32, #tpu.memory_space<vmem>>, vector<1x2048xi32>
    %get3A_38 = vector.shape_cast %get3A_37 : vector<1x2048xi32> to vector<2048xi32>
    %broadcast_in_dim3A_39 = vector.shape_cast %get3A_38 : vector<2048xi32> to vector<1x2048xi32>
    %eq3A_40 = vector.broadcast %broadcast_in_dim3A_39 : vector<1x2048xi32> to vector<128x2048xi32>
    %eq3A_41 = arith.cmpi eq, %iota3A_6, %eq3A_40 : vector<128x2048xi32>
    %convert_element_type3A_42 = arith.extui %eq3A_41 : vector<128x2048xi1> to vector<128x2048xi32>
    %convert_element_type3A_43 = arith.sitofp %convert_element_type3A_42 : vector<128x2048xi32> to vector<128x2048xf32>
    %convert_element_type3A_44 = arith.truncf %convert_element_type3A_43 : vector<128x2048xf32> to vector<128x2048xbf16>
    %get3A_45 = arith.constant 1 : index
    %get3A_46 = arith.constant 0 : index
    %get3A_47 = arith.constant 0 : index
    %get3A_48 = vector.load %arg0[%get3A_45, %get3A_46, %get3A_47] : memref<8x2048x32xf32, #tpu.memory_space<vmem>>, vector<1x2048x32xf32>
    %get3A_49 = vector.shape_cast %get3A_48 : vector<1x2048x32xf32> to vector<2048x32xf32>
    %convert_element_type3A_50 = arith.truncf %get3A_49 : vector<2048x32xf32> to vector<2048x32xbf16>
    %convert_element_type3A_51 = arith.extf %convert_element_type3A_50 : vector<2048x32xbf16> to vector<2048x32xf32>
    %sub3A_52 = arith.subf %get3A_49, %convert_element_type3A_51 : vector<2048x32xf32>
    %convert_element_type3A_53 = arith.truncf %sub3A_52 : vector<2048x32xf32> to vector<2048x32xbf16>
    %convert_element_type3A_54 = arith.extf %convert_element_type3A_53 : vector<2048x32xbf16> to vector<2048x32xf32>
    %sub3A_55 = arith.subf %sub3A_52, %convert_element_type3A_54 : vector<2048x32xf32>
    %convert_element_type3A_56 = arith.truncf %sub3A_55 : vector<2048x32xf32> to vector<2048x32xbf16>
    %dot_general3A_57 = arith.constant dense<0.000000e+00> : vector<128x32xf32>
    %dot_general3A_58 = tpu.matmul %convert_element_type3A_44, %convert_element_type3A_50, %dot_general3A_57 {dimension_numbers = #tpu.dot_dimension_numbers<[1], [0], [0], [1], [0, 0, 1, 1], [], []>, transpose_lhs_hint = false} : vector<128x2048xbf16>, vector<2048x32xbf16>, vector<128x32xf32> -> vector<128x32xf32>
    %add3A_59 = arith.addf %add3A_34, %dot_general3A_58 : vector<128x32xf32>
    %dot_general3A_60 = arith.constant dense<0.000000e+00> : vector<128x32xf32>
    %dot_general3A_61 = tpu.matmul %convert_element_type3A_44, %convert_element_type3A_53, %dot_general3A_60 {dimension_numbers = #tpu.dot_dimension_numbers<[1], [0], [0], [1], [0, 0, 1, 1], [], []>, transpose_lhs_hint = false} : vector<128x2048xbf16>, vector<2048x32xbf16>, vector<128x32xf32> -> vector<128x32xf32>
    %add3A_62 = arith.addf %add3A_59, %dot_general3A_61 : vector<128x32xf32>
    %dot_general3A_63 = arith.constant dense<0.000000e+00> : vector<128x32xf32>
    %dot_general3A_64 = tpu.matmul %convert_element_type3A_44, %convert_element_type3A_56, %dot_general3A_63 {dimension_numbers = #tpu.dot_dimension_numbers<[1], [0], [0], [1], [0, 0, 1, 1], [], []>, transpose_lhs_hint = false} : vector<128x2048xbf16>, vector<2048x32xbf16>, vector<128x32xf32> -> vector<128x32xf32>
    %add3A_65 = arith.addf %add3A_62, %dot_general3A_64 : vector<128x32xf32>
    %get3A_66 = arith.constant 2 : index
    %get3A_67 = arith.constant 0 : index
    %get3A_68 = vector.load %arg1[%get3A_66, %get3A_67] : memref<8x2048xi32, #tpu.memory_space<vmem>>, vector<1x2048xi32>
    %get3A_69 = vector.shape_cast %get3A_68 : vector<1x2048xi32> to vector<2048xi32>
    %broadcast_in_dim3A_70 = vector.shape_cast %get3A_69 : vector<2048xi32> to vector<1x2048xi32>
    %eq3A_71 = vector.broadcast %broadcast_in_dim3A_70 : vector<1x2048xi32> to vector<128x2048xi32>
    %eq3A_72 = arith.cmpi eq, %iota3A_6, %eq3A_71 : vector<128x2048xi32>
    %convert_element_type3A_73 = arith.extui %eq3A_72 : vector<128x2048xi1> to vector<128x2048xi32>
    %convert_element_type3A_74 = arith.sitofp %convert_element_type3A_73 : vector<128x2048xi32> to vector<128x2048xf32>
    %convert_element_type3A_75 = arith.truncf %convert_element_type3A_74 : vector<128x2048xf32> to vector<128x2048xbf16>
    %get3A_76 = arith.constant 2 : index
    %get3A_77 = arith.constant 0 : index
    %get3A_78 = arith.constant 0 : index
    %get3A_79 = vector.load %arg0[%get3A_76, %get3A_77, %get3A_78] : memref<8x2048x32xf32, #tpu.memory_space<vmem>>, vector<1x2048x32xf32>
    %get3A_80 = vector.shape_cast %get3A_79 : vector<1x2048x32xf32> to vector<2048x32xf32>
    %convert_element_type3A_81 = arith.truncf %get3A_80 : vector<2048x32xf32> to vector<2048x32xbf16>
    %convert_element_type3A_82 = arith.extf %convert_element_type3A_81 : vector<2048x32xbf16> to vector<2048x32xf32>
    %sub3A_83 = arith.subf %get3A_80, %convert_element_type3A_82 : vector<2048x32xf32>
    %convert_element_type3A_84 = arith.truncf %sub3A_83 : vector<2048x32xf32> to vector<2048x32xbf16>
    %convert_element_type3A_85 = arith.extf %convert_element_type3A_84 : vector<2048x32xbf16> to vector<2048x32xf32>
    %sub3A_86 = arith.subf %sub3A_83, %convert_element_type3A_85 : vector<2048x32xf32>
    %convert_element_type3A_87 = arith.truncf %sub3A_86 : vector<2048x32xf32> to vector<2048x32xbf16>
    %dot_general3A_88 = arith.constant dense<0.000000e+00> : vector<128x32xf32>
    %dot_general3A_89 = tpu.matmul %convert_element_type3A_75, %convert_element_type3A_81, %dot_general3A_88 {dimension_numbers = #tpu.dot_dimension_numbers<[1], [0], [0], [1], [0, 0, 1, 1], [], []>, transpose_lhs_hint = false} : vector<128x2048xbf16>, vector<2048x32xbf16>, vector<128x32xf32> -> vector<128x32xf32>
    %add3A_90 = arith.addf %add3A_65, %dot_general3A_89 : vector<128x32xf32>
    %dot_general3A_91 = arith.constant dense<0.000000e+00> : vector<128x32xf32>
    %dot_general3A_92 = tpu.matmul %convert_element_type3A_75, %convert_element_type3A_84, %dot_general3A_91 {dimension_numbers = #tpu.dot_dimension_numbers<[1], [0], [0], [1], [0, 0, 1, 1], [], []>, transpose_lhs_hint = false} : vector<128x2048xbf16>, vector<2048x32xbf16>, vector<128x32xf32> -> vector<128x32xf32>
    %add3A_93 = arith.addf %add3A_90, %dot_general3A_92 : vector<128x32xf32>
    %dot_general3A_94 = arith.constant dense<0.000000e+00> : vector<128x32xf32>
    %dot_general3A_95 = tpu.matmul %convert_element_type3A_75, %convert_element_type3A_87, %dot_general3A_94 {dimension_numbers = #tpu.dot_dimension_numbers<[1], [0], [0], [1], [0, 0, 1, 1], [], []>, transpose_lhs_hint = false} : vector<128x2048xbf16>, vector<2048x32xbf16>, vector<128x32xf32> -> vector<128x32xf32>
    %add3A_96 = arith.addf %add3A_93, %dot_general3A_95 : vector<128x32xf32>
    %get3A_97 = arith.constant 3 : index
    %get3A_98 = arith.constant 0 : index
    %get3A_99 = vector.load %arg1[%get3A_97, %get3A_98] : memref<8x2048xi32, #tpu.memory_space<vmem>>, vector<1x2048xi32>
    %get3A_100 = vector.shape_cast %get3A_99 : vector<1x2048xi32> to vector<2048xi32>
    %broadcast_in_dim3A_101 = vector.shape_cast %get3A_100 : vector<2048xi32> to vector<1x2048xi32>
    %eq3A_102 = vector.broadcast %broadcast_in_dim3A_101 : vector<1x2048xi32> to vector<128x2048xi32>
    %eq3A_103 = arith.cmpi eq, %iota3A_6, %eq3A_102 : vector<128x2048xi32>
    %convert_element_type3A_104 = arith.extui %eq3A_103 : vector<128x2048xi1> to vector<128x2048xi32>
    %convert_element_type3A_105 = arith.sitofp %convert_element_type3A_104 : vector<128x2048xi32> to vector<128x2048xf32>
    %convert_element_type3A_106 = arith.truncf %convert_element_type3A_105 : vector<128x2048xf32> to vector<128x2048xbf16>
    %get3A_107 = arith.constant 3 : index
    %get3A_108 = arith.constant 0 : index
    %get3A_109 = arith.constant 0 : index
    %get3A_110 = vector.load %arg0[%get3A_107, %get3A_108, %get3A_109] : memref<8x2048x32xf32, #tpu.memory_space<vmem>>, vector<1x2048x32xf32>
    %get3A_111 = vector.shape_cast %get3A_110 : vector<1x2048x32xf32> to vector<2048x32xf32>
    %convert_element_type3A_112 = arith.truncf %get3A_111 : vector<2048x32xf32> to vector<2048x32xbf16>
    %convert_element_type3A_113 = arith.extf %convert_element_type3A_112 : vector<2048x32xbf16> to vector<2048x32xf32>
    %sub3A_114 = arith.subf %get3A_111, %convert_element_type3A_113 : vector<2048x32xf32>
    %convert_element_type3A_115 = arith.truncf %sub3A_114 : vector<2048x32xf32> to vector<2048x32xbf16>
    %convert_element_type3A_116 = arith.extf %convert_element_type3A_115 : vector<2048x32xbf16> to vector<2048x32xf32>
    %sub3A_117 = arith.subf %sub3A_114, %convert_element_type3A_116 : vector<2048x32xf32>
    %convert_element_type3A_118 = arith.truncf %sub3A_117 : vector<2048x32xf32> to vector<2048x32xbf16>
    %dot_general3A_119 = arith.constant dense<0.000000e+00> : vector<128x32xf32>
    %dot_general3A_120 = tpu.matmul %convert_element_type3A_106, %convert_element_type3A_112, %dot_general3A_119 {dimension_numbers = #tpu.dot_dimension_numbers<[1], [0], [0], [1], [0, 0, 1, 1], [], []>, transpose_lhs_hint = false} : vector<128x2048xbf16>, vector<2048x32xbf16>, vector<128x32xf32> -> vector<128x32xf32>
    %add3A_121 = arith.addf %add3A_96, %dot_general3A_120 : vector<128x32xf32>
    %dot_general3A_122 = arith.constant dense<0.000000e+00> : vector<128x32xf32>
    %dot_general3A_123 = tpu.matmul %convert_element_type3A_106, %convert_element_type3A_115, %dot_general3A_122 {dimension_numbers = #tpu.dot_dimension_numbers<[1], [0], [0], [1], [0, 0, 1, 1], [], []>, transpose_lhs_hint = false} : vector<128x2048xbf16>, vector<2048x32xbf16>, vector<128x32xf32> -> vector<128x32xf32>
    %add3A_124 = arith.addf %add3A_121, %dot_general3A_123 : vector<128x32xf32>
    %dot_general3A_125 = arith.constant dense<0.000000e+00> : vector<128x32xf32>
    %dot_general3A_126 = tpu.matmul %convert_element_type3A_106, %convert_element_type3A_118, %dot_general3A_125 {dimension_numbers = #tpu.dot_dimension_numbers<[1], [0], [0], [1], [0, 0, 1, 1], [], []>, transpose_lhs_hint = false} : vector<128x2048xbf16>, vector<2048x32xbf16>, vector<128x32xf32> -> vector<128x32xf32>
    %add3A_127 = arith.addf %add3A_124, %dot_general3A_126 : vector<128x32xf32>
    %get3A_128 = arith.constant 4 : index
    %get3A_129 = arith.constant 0 : index
    %get3A_130 = vector.load %arg1[%get3A_128, %get3A_129] : memref<8x2048xi32, #tpu.memory_space<vmem>>, vector<1x2048xi32>
    %get3A_131 = vector.shape_cast %get3A_130 : vector<1x2048xi32> to vector<2048xi32>
    %broadcast_in_dim3A_132 = vector.shape_cast %get3A_131 : vector<2048xi32> to vector<1x2048xi32>
    %eq3A_133 = vector.broadcast %broadcast_in_dim3A_132 : vector<1x2048xi32> to vector<128x2048xi32>
    %eq3A_134 = arith.cmpi eq, %iota3A_6, %eq3A_133 : vector<128x2048xi32>
    %convert_element_type3A_135 = arith.extui %eq3A_134 : vector<128x2048xi1> to vector<128x2048xi32>
    %convert_element_type3A_136 = arith.sitofp %convert_element_type3A_135 : vector<128x2048xi32> to vector<128x2048xf32>
    %convert_element_type3A_137 = arith.truncf %convert_element_type3A_136 : vector<128x2048xf32> to vector<128x2048xbf16>
    %get3A_138 = arith.constant 4 : index
    %get3A_139 = arith.constant 0 : index
    %get3A_140 = arith.constant 0 : index
    %get3A_141 = vector.load %arg0[%get3A_138, %get3A_139, %get3A_140] : memref<8x2048x32xf32, #tpu.memory_space<vmem>>, vector<1x2048x32xf32>
    %get3A_142 = vector.shape_cast %get3A_141 : vector<1x2048x32xf32> to vector<2048x32xf32>
    %convert_element_type3A_143 = arith.truncf %get3A_142 : vector<2048x32xf32> to vector<2048x32xbf16>
    %convert_element_type3A_144 = arith.extf %convert_element_type3A_143 : vector<2048x32xbf16> to vector<2048x32xf32>
    %sub3A_145 = arith.subf %get3A_142, %convert_element_type3A_144 : vector<2048x32xf32>
    %convert_element_type3A_146 = arith.truncf %sub3A_145 : vector<2048x32xf32> to vector<2048x32xbf16>
    %convert_element_type3A_147 = arith.extf %convert_element_type3A_146 : vector<2048x32xbf16> to vector<2048x32xf32>
    %sub3A_148 = arith.subf %sub3A_145, %convert_element_type3A_147 : vector<2048x32xf32>
    %convert_element_type3A_149 = arith.truncf %sub3A_148 : vector<2048x32xf32> to vector<2048x32xbf16>
    %dot_general3A_150 = arith.constant dense<0.000000e+00> : vector<128x32xf32>
    %dot_general3A_151 = tpu.matmul %convert_element_type3A_137, %convert_element_type3A_143, %dot_general3A_150 {dimension_numbers = #tpu.dot_dimension_numbers<[1], [0], [0], [1], [0, 0, 1, 1], [], []>, transpose_lhs_hint = false} : vector<128x2048xbf16>, vector<2048x32xbf16>, vector<128x32xf32> -> vector<128x32xf32>
    %add3A_152 = arith.addf %add3A_127, %dot_general3A_151 : vector<128x32xf32>
    %dot_general3A_153 = arith.constant dense<0.000000e+00> : vector<128x32xf32>
    %dot_general3A_154 = tpu.matmul %convert_element_type3A_137, %convert_element_type3A_146, %dot_general3A_153 {dimension_numbers = #tpu.dot_dimension_numbers<[1], [0], [0], [1], [0, 0, 1, 1], [], []>, transpose_lhs_hint = false} : vector<128x2048xbf16>, vector<2048x32xbf16>, vector<128x32xf32> -> vector<128x32xf32>
    %add3A_155 = arith.addf %add3A_152, %dot_general3A_154 : vector<128x32xf32>
    %dot_general3A_156 = arith.constant dense<0.000000e+00> : vector<128x32xf32>
    %dot_general3A_157 = tpu.matmul %convert_element_type3A_137, %convert_element_type3A_149, %dot_general3A_156 {dimension_numbers = #tpu.dot_dimension_numbers<[1], [0], [0], [1], [0, 0, 1, 1], [], []>, transpose_lhs_hint = false} : vector<128x2048xbf16>, vector<2048x32xbf16>, vector<128x32xf32> -> vector<128x32xf32>
    %add3A_158 = arith.addf %add3A_155, %dot_general3A_157 : vector<128x32xf32>
    %get3A_159 = arith.constant 5 : index
    %get3A_160 = arith.constant 0 : index
    %get3A_161 = vector.load %arg1[%get3A_159, %get3A_160] : memref<8x2048xi32, #tpu.memory_space<vmem>>, vector<1x2048xi32>
    %get3A_162 = vector.shape_cast %get3A_161 : vector<1x2048xi32> to vector<2048xi32>
    %broadcast_in_dim3A_163 = vector.shape_cast %get3A_162 : vector<2048xi32> to vector<1x2048xi32>
    %eq3A_164 = vector.broadcast %broadcast_in_dim3A_163 : vector<1x2048xi32> to vector<128x2048xi32>
    %eq3A_165 = arith.cmpi eq, %iota3A_6, %eq3A_164 : vector<128x2048xi32>
    %convert_element_type3A_166 = arith.extui %eq3A_165 : vector<128x2048xi1> to vector<128x2048xi32>
    %convert_element_type3A_167 = arith.sitofp %convert_element_type3A_166 : vector<128x2048xi32> to vector<128x2048xf32>
    %convert_element_type3A_168 = arith.truncf %convert_element_type3A_167 : vector<128x2048xf32> to vector<128x2048xbf16>
    %get3A_169 = arith.constant 5 : index
    %get3A_170 = arith.constant 0 : index
    %get3A_171 = arith.constant 0 : index
    %get3A_172 = vector.load %arg0[%get3A_169, %get3A_170, %get3A_171] : memref<8x2048x32xf32, #tpu.memory_space<vmem>>, vector<1x2048x32xf32>
    %get3A_173 = vector.shape_cast %get3A_172 : vector<1x2048x32xf32> to vector<2048x32xf32>
    %convert_element_type3A_174 = arith.truncf %get3A_173 : vector<2048x32xf32> to vector<2048x32xbf16>
    %convert_element_type3A_175 = arith.extf %convert_element_type3A_174 : vector<2048x32xbf16> to vector<2048x32xf32>
    %sub3A_176 = arith.subf %get3A_173, %convert_element_type3A_175 : vector<2048x32xf32>
    %convert_element_type3A_177 = arith.truncf %sub3A_176 : vector<2048x32xf32> to vector<2048x32xbf16>
    %convert_element_type3A_178 = arith.extf %convert_element_type3A_177 : vector<2048x32xbf16> to vector<2048x32xf32>
    %sub3A_179 = arith.subf %sub3A_176, %convert_element_type3A_178 : vector<2048x32xf32>
    %convert_element_type3A_180 = arith.truncf %sub3A_179 : vector<2048x32xf32> to vector<2048x32xbf16>
    %dot_general3A_181 = arith.constant dense<0.000000e+00> : vector<128x32xf32>
    %dot_general3A_182 = tpu.matmul %convert_element_type3A_168, %convert_element_type3A_174, %dot_general3A_181 {dimension_numbers = #tpu.dot_dimension_numbers<[1], [0], [0], [1], [0, 0, 1, 1], [], []>, transpose_lhs_hint = false} : vector<128x2048xbf16>, vector<2048x32xbf16>, vector<128x32xf32> -> vector<128x32xf32>
    %add3A_183 = arith.addf %add3A_158, %dot_general3A_182 : vector<128x32xf32>
    %dot_general3A_184 = arith.constant dense<0.000000e+00> : vector<128x32xf32>
    %dot_general3A_185 = tpu.matmul %convert_element_type3A_168, %convert_element_type3A_177, %dot_general3A_184 {dimension_numbers = #tpu.dot_dimension_numbers<[1], [0], [0], [1], [0, 0, 1, 1], [], []>, transpose_lhs_hint = false} : vector<128x2048xbf16>, vector<2048x32xbf16>, vector<128x32xf32> -> vector<128x32xf32>
    %add3A_186 = arith.addf %add3A_183, %dot_general3A_185 : vector<128x32xf32>
    %dot_general3A_187 = arith.constant dense<0.000000e+00> : vector<128x32xf32>
    %dot_general3A_188 = tpu.matmul %convert_element_type3A_168, %convert_element_type3A_180, %dot_general3A_187 {dimension_numbers = #tpu.dot_dimension_numbers<[1], [0], [0], [1], [0, 0, 1, 1], [], []>, transpose_lhs_hint = false} : vector<128x2048xbf16>, vector<2048x32xbf16>, vector<128x32xf32> -> vector<128x32xf32>
    %add3A_189 = arith.addf %add3A_186, %dot_general3A_188 : vector<128x32xf32>
    %get3A_190 = arith.constant 6 : index
    %get3A_191 = arith.constant 0 : index
    %get3A_192 = vector.load %arg1[%get3A_190, %get3A_191] : memref<8x2048xi32, #tpu.memory_space<vmem>>, vector<1x2048xi32>
    %get3A_193 = vector.shape_cast %get3A_192 : vector<1x2048xi32> to vector<2048xi32>
    %broadcast_in_dim3A_194 = vector.shape_cast %get3A_193 : vector<2048xi32> to vector<1x2048xi32>
    %eq3A_195 = vector.broadcast %broadcast_in_dim3A_194 : vector<1x2048xi32> to vector<128x2048xi32>
    %eq3A_196 = arith.cmpi eq, %iota3A_6, %eq3A_195 : vector<128x2048xi32>
    %convert_element_type3A_197 = arith.extui %eq3A_196 : vector<128x2048xi1> to vector<128x2048xi32>
    %convert_element_type3A_198 = arith.sitofp %convert_element_type3A_197 : vector<128x2048xi32> to vector<128x2048xf32>
    %convert_element_type3A_199 = arith.truncf %convert_element_type3A_198 : vector<128x2048xf32> to vector<128x2048xbf16>
    %get3A_200 = arith.constant 6 : index
    %get3A_201 = arith.constant 0 : index
    %get3A_202 = arith.constant 0 : index
    %get3A_203 = vector.load %arg0[%get3A_200, %get3A_201, %get3A_202] : memref<8x2048x32xf32, #tpu.memory_space<vmem>>, vector<1x2048x32xf32>
    %get3A_204 = vector.shape_cast %get3A_203 : vector<1x2048x32xf32> to vector<2048x32xf32>
    %convert_element_type3A_205 = arith.truncf %get3A_204 : vector<2048x32xf32> to vector<2048x32xbf16>
    %convert_element_type3A_206 = arith.extf %convert_element_type3A_205 : vector<2048x32xbf16> to vector<2048x32xf32>
    %sub3A_207 = arith.subf %get3A_204, %convert_element_type3A_206 : vector<2048x32xf32>
    %convert_element_type3A_208 = arith.truncf %sub3A_207 : vector<2048x32xf32> to vector<2048x32xbf16>
    %convert_element_type3A_209 = arith.extf %convert_element_type3A_208 : vector<2048x32xbf16> to vector<2048x32xf32>
    %sub3A_210 = arith.subf %sub3A_207, %convert_element_type3A_209 : vector<2048x32xf32>
    %convert_element_type3A_211 = arith.truncf %sub3A_210 : vector<2048x32xf32> to vector<2048x32xbf16>
    %dot_general3A_212 = arith.constant dense<0.000000e+00> : vector<128x32xf32>
    %dot_general3A_213 = tpu.matmul %convert_element_type3A_199, %convert_element_type3A_205, %dot_general3A_212 {dimension_numbers = #tpu.dot_dimension_numbers<[1], [0], [0], [1], [0, 0, 1, 1], [], []>, transpose_lhs_hint = false} : vector<128x2048xbf16>, vector<2048x32xbf16>, vector<128x32xf32> -> vector<128x32xf32>
    %add3A_214 = arith.addf %add3A_189, %dot_general3A_213 : vector<128x32xf32>
    %dot_general3A_215 = arith.constant dense<0.000000e+00> : vector<128x32xf32>
    %dot_general3A_216 = tpu.matmul %convert_element_type3A_199, %convert_element_type3A_208, %dot_general3A_215 {dimension_numbers = #tpu.dot_dimension_numbers<[1], [0], [0], [1], [0, 0, 1, 1], [], []>, transpose_lhs_hint = false} : vector<128x2048xbf16>, vector<2048x32xbf16>, vector<128x32xf32> -> vector<128x32xf32>
    %add3A_217 = arith.addf %add3A_214, %dot_general3A_216 : vector<128x32xf32>
    %dot_general3A_218 = arith.constant dense<0.000000e+00> : vector<128x32xf32>
    %dot_general3A_219 = tpu.matmul %convert_element_type3A_199, %convert_element_type3A_211, %dot_general3A_218 {dimension_numbers = #tpu.dot_dimension_numbers<[1], [0], [0], [1], [0, 0, 1, 1], [], []>, transpose_lhs_hint = false} : vector<128x2048xbf16>, vector<2048x32xbf16>, vector<128x32xf32> -> vector<128x32xf32>
    %add3A_220 = arith.addf %add3A_217, %dot_general3A_219 : vector<128x32xf32>
    %get3A_221 = arith.constant 7 : index
    %get3A_222 = arith.constant 0 : index
    %get3A_223 = vector.load %arg1[%get3A_221, %get3A_222] : memref<8x2048xi32, #tpu.memory_space<vmem>>, vector<1x2048xi32>
    %get3A_224 = vector.shape_cast %get3A_223 : vector<1x2048xi32> to vector<2048xi32>
    %broadcast_in_dim3A_225 = vector.shape_cast %get3A_224 : vector<2048xi32> to vector<1x2048xi32>
    %eq3A_226 = vector.broadcast %broadcast_in_dim3A_225 : vector<1x2048xi32> to vector<128x2048xi32>
    %eq3A_227 = arith.cmpi eq, %iota3A_6, %eq3A_226 : vector<128x2048xi32>
    %convert_element_type3A_228 = arith.extui %eq3A_227 : vector<128x2048xi1> to vector<128x2048xi32>
    %convert_element_type3A_229 = arith.sitofp %convert_element_type3A_228 : vector<128x2048xi32> to vector<128x2048xf32>
    %convert_element_type3A_230 = arith.truncf %convert_element_type3A_229 : vector<128x2048xf32> to vector<128x2048xbf16>
    %get3A_231 = arith.constant 7 : index
    %get3A_232 = arith.constant 0 : index
    %get3A_233 = arith.constant 0 : index
    %get3A_234 = vector.load %arg0[%get3A_231, %get3A_232, %get3A_233] : memref<8x2048x32xf32, #tpu.memory_space<vmem>>, vector<1x2048x32xf32>
    %get3A_235 = vector.shape_cast %get3A_234 : vector<1x2048x32xf32> to vector<2048x32xf32>
    %convert_element_type3A_236 = arith.truncf %get3A_235 : vector<2048x32xf32> to vector<2048x32xbf16>
    %convert_element_type3A_237 = arith.extf %convert_element_type3A_236 : vector<2048x32xbf16> to vector<2048x32xf32>
    %sub3A_238 = arith.subf %get3A_235, %convert_element_type3A_237 : vector<2048x32xf32>
    %convert_element_type3A_239 = arith.truncf %sub3A_238 : vector<2048x32xf32> to vector<2048x32xbf16>
    %convert_element_type3A_240 = arith.extf %convert_element_type3A_239 : vector<2048x32xbf16> to vector<2048x32xf32>
    %sub3A_241 = arith.subf %sub3A_238, %convert_element_type3A_240 : vector<2048x32xf32>
    %convert_element_type3A_242 = arith.truncf %sub3A_241 : vector<2048x32xf32> to vector<2048x32xbf16>
    %dot_general3A_243 = arith.constant dense<0.000000e+00> : vector<128x32xf32>
    %dot_general3A_244 = tpu.matmul %convert_element_type3A_230, %convert_element_type3A_236, %dot_general3A_243 {dimension_numbers = #tpu.dot_dimension_numbers<[1], [0], [0], [1], [0, 0, 1, 1], [], []>, transpose_lhs_hint = false} : vector<128x2048xbf16>, vector<2048x32xbf16>, vector<128x32xf32> -> vector<128x32xf32>
    %add3A_245 = arith.addf %add3A_220, %dot_general3A_244 : vector<128x32xf32>
    %dot_general3A_246 = arith.constant dense<0.000000e+00> : vector<128x32xf32>
    %dot_general3A_247 = tpu.matmul %convert_element_type3A_230, %convert_element_type3A_239, %dot_general3A_246 {dimension_numbers = #tpu.dot_dimension_numbers<[1], [0], [0], [1], [0, 0, 1, 1], [], []>, transpose_lhs_hint = false} : vector<128x2048xbf16>, vector<2048x32xbf16>, vector<128x32xf32> -> vector<128x32xf32>
    %add3A_248 = arith.addf %add3A_245, %dot_general3A_247 : vector<128x32xf32>
    %dot_general3A_249 = arith.constant dense<0.000000e+00> : vector<128x32xf32>
    %dot_general3A_250 = tpu.matmul %convert_element_type3A_230, %convert_element_type3A_242, %dot_general3A_249 {dimension_numbers = #tpu.dot_dimension_numbers<[1], [0], [0], [1], [0, 0, 1, 1], [], []>, transpose_lhs_hint = false} : vector<128x2048xbf16>, vector<2048x32xbf16>, vector<128x32xf32> -> vector<128x32xf32>
    %add3A_251 = arith.addf %add3A_248, %dot_general3A_250 : vector<128x32xf32>
    %max3A = arith.constant 1.000000e+00 : f32
    %max3A_252 = vector.broadcast %max3A : f32 to vector<1x128xf32>
    %max3A_253 = arith.maximumf %floor3A, %max3A_252 : vector<1x128xf32>
    %div3A = arith.constant 1.000000e+00 : f32
    %div3A_254 = vector.broadcast %div3A : f32 to vector<1x128xf32>
    %div3A_255 = arith.divf %div3A_254, %max3A_253 : vector<1x128xf32>
    %mul3A_256 = arith.constant 2.000000e+00 : f32
    %mul3A_257 = vector.broadcast %mul3A_256 : f32 to vector<1x128xf32>
    %mul3A_258 = arith.mulf %mul3A_257, %div3A_255 : vector<1x128xf32>
    %mul3A_259 = arith.mulf %add3A_251, %add3A_251 : vector<128x32xf32>
    %reduce_sum3A = arith.constant dense<0.000000e+00> : vector<128xf32>
    %reduce_sum3A_260 = vector.multi_reduction <add>, %mul3A_259, %reduce_sum3A [1] : vector<128x32xf32> to vector<128xf32>
    %reshape3A = vector.shape_cast %reduce_sum3A_260 : vector<128xf32> to vector<1x128xf32>
    %mul3A_261 = arith.mulf %reshape3A, %div3A_255 : vector<1x128xf32>
    %mul3A_262 = arith.mulf %mul3A_261, %div3A_255 : vector<1x128xf32>
    %jit3A = arith.constant 0x7F800000 : f32
    %broadcast_in_dim3A_263 = vector.broadcast %jit3A : f32 to vector<1x128xf32>
    %select_n3A = arith.select %ge3A_5, %mul3A_262, %broadcast_in_dim3A_263 : vector<1x128xi1>, vector<1x128xf32>
    %convert_element_type3A_264 = arith.sitofp %iota3A : vector<1x128xi32> to vector<1x128xf32>
    %sub3A_265 = arith.constant 1.270000e+02 : f32
    %sub3A_266 = vector.broadcast %sub3A_265 : f32 to vector<1x128xf32>
    %sub3A_267 = arith.subf %sub3A_266, %convert_element_type3A_264 : vector<1x128xf32>
    %get3A_268 = arith.constant 0 : index
    %get3A_269 = arith.constant 0 : index
    %get3A_270 = arith.constant 0 : index
    %get3A_271 = vector.load %arg0[%get3A_268, %get3A_269, %get3A_270] : memref<8x2048x32xf32, #tpu.memory_space<vmem>>, vector<1x2048x32xf32>
    %get3A_272 = vector.shape_cast %get3A_271 : vector<1x2048x32xf32> to vector<2048x32xf32>
    %get3A_273 = arith.constant 0 : index
    %get3A_274 = arith.constant 0 : index
    %get3A_275 = vector.load %arg2[%get3A_273, %get3A_274] : memref<8x2048xi32, #tpu.memory_space<vmem>>, vector<1x2048xi32>
    %get3A_276 = vector.shape_cast %get3A_275 : vector<1x2048xi32> to vector<2048xi32>
    %broadcast_in_dim3A_277 = vector.shape_cast %get3A_276 : vector<2048xi32> to vector<2048x1xi32>
    %eq3A_278 = vector.broadcast %broadcast_in_dim3A_277 : vector<2048x1xi32> to vector<2048x128xi32>
    %eq3A_279 = vector.broadcast %iota3A : vector<1x128xi32> to vector<2048x128xi32>
    %eq3A_280 = arith.cmpi eq, %eq3A_278, %eq3A_279 : vector<2048x128xi32>
    %dot_general3A_281 = arith.constant dense<0.000000e+00> : vector<2048x128xf32>
    %dot_general3A_282 = tpu.matmul %get3A_272, %add3A_251, %dot_general3A_281 {dimension_numbers = #tpu.dot_dimension_numbers<[1], [1], [0], [0], [0, 0, 1, 0], [], []>, precision = #tpu.contract_precision<fp32>, transpose_lhs_hint = false} : vector<2048x32xf32>, vector<128x32xf32>, vector<2048x128xf32> -> vector<2048x128xf32>
    %mul3A_283 = vector.broadcast %mul3A_258 : vector<1x128xf32> to vector<2048x128xf32>
    %mul3A_284 = arith.mulf %dot_general3A_282, %mul3A_283 : vector<2048x128xf32>
    %sub3A_285 = vector.broadcast %select_n3A : vector<1x128xf32> to vector<2048x128xf32>
    %sub3A_286 = arith.subf %mul3A_284, %sub3A_285 : vector<2048x128xf32>
    %reduce_max3A = arith.constant dense<0xFF800000> : vector<2048xf32>
    %reduce_max3A_287 = vector.multi_reduction <maximumf>, %sub3A_286, %reduce_max3A [1] : vector<2048x128xf32> to vector<2048xf32>
    %broadcast_in_dim3A_288 = vector.shape_cast %reduce_max3A_287 : vector<2048xf32> to vector<2048x1xf32>
    %sub3A_289 = vector.broadcast %broadcast_in_dim3A_288 : vector<2048x1xf32> to vector<2048x128xf32>
    %sub3A_290 = arith.subf %sub3A_286, %sub3A_289 : vector<2048x128xf32>
    %exp3A = math.exp %sub3A_290 : vector<2048x128xf32>
    %reduce_sum3A_291 = arith.constant dense<0.000000e+00> : vector<2048xf32>
    %reduce_sum3A_292 = vector.multi_reduction <add>, %exp3A, %reduce_sum3A_291 [1] : vector<2048x128xf32> to vector<2048xf32>
    %broadcast_in_dim3A_293 = vector.shape_cast %reduce_sum3A_292 : vector<2048xf32> to vector<2048x1xf32>
    %jit3A_294 = arith.constant 0.000000e+00 : f32
    %broadcast_in_dim3A_295 = vector.broadcast %jit3A_294 : f32 to vector<2048x128xf32>
    %select_n3A_296 = arith.select %eq3A_280, %sub3A_286, %broadcast_in_dim3A_295 : vector<2048x128xi1>, vector<2048x128xf32>
    %reduce_sum3A_297 = arith.constant dense<0.000000e+00> : vector<2048xf32>
    %reduce_sum3A_298 = vector.multi_reduction <add>, %select_n3A_296, %reduce_sum3A_297 [1] : vector<2048x128xf32> to vector<2048xf32>
    %broadcast_in_dim3A_299 = vector.shape_cast %reduce_sum3A_298 : vector<2048xf32> to vector<2048x1xf32>
    %sub3A_300 = arith.subf %broadcast_in_dim3A_299, %broadcast_in_dim3A_288 : vector<2048x1xf32>
    %log3A = math.log %broadcast_in_dim3A_293 : vector<2048x1xf32>
    %sub3A_301 = arith.subf %sub3A_300, %log3A : vector<2048x1xf32>
    %jit3A_302 = arith.constant -1.000000e+00 : f32
    %broadcast_in_dim3A_303 = vector.shape_cast %sub3A_267 : vector<1x128xf32> to vector<1x128xf32>
    %broadcast_in_dim3A_304 = vector.broadcast %broadcast_in_dim3A_303 : vector<1x128xf32> to vector<2048x128xf32>
    %broadcast_in_dim3A_305 = vector.broadcast %jit3A_302 : f32 to vector<2048x128xf32>
    %select_n3A_306 = arith.select %eq3A_280, %broadcast_in_dim3A_304, %broadcast_in_dim3A_305 : vector<2048x128xi1>, vector<2048x128xf32>
    %reduce_max3A_307 = arith.constant dense<0xFF800000> : vector<2048xf32>
    %reduce_max3A_308 = vector.multi_reduction <maximumf>, %select_n3A_306, %reduce_max3A_307 [1] : vector<2048x128xf32> to vector<2048xf32>
    %broadcast_in_dim3A_309 = vector.shape_cast %reduce_max3A_308 : vector<2048xf32> to vector<2048x1xf32>
    %ge3A_310 = arith.constant 0.000000e+00 : f32
    %ge3A_311 = vector.broadcast %ge3A_310 : f32 to vector<2048x1xf32>
    %ge3A_312 = arith.cmpf oge, %broadcast_in_dim3A_309, %ge3A_311 : vector<2048x1xf32>
    %eq3A_313 = vector.broadcast %broadcast_in_dim3A_288 : vector<2048x1xf32> to vector<2048x128xf32>
    %eq3A_314 = arith.cmpf oeq, %sub3A_286, %eq3A_313 : vector<2048x128xf32>
    %jit3A_315 = arith.constant -1.000000e+00 : f32
    %broadcast_in_dim3A_316 = vector.shape_cast %sub3A_267 : vector<1x128xf32> to vector<1x128xf32>
    %broadcast_in_dim3A_317 = vector.broadcast %broadcast_in_dim3A_316 : vector<1x128xf32> to vector<2048x128xf32>
    %broadcast_in_dim3A_318 = vector.broadcast %jit3A_315 : f32 to vector<2048x128xf32>
    %select_n3A_319 = arith.select %eq3A_314, %broadcast_in_dim3A_317, %broadcast_in_dim3A_318 : vector<2048x128xi1>, vector<2048x128xf32>
    %reduce_max3A_320 = arith.constant dense<0xFF800000> : vector<2048xf32>
    %reduce_max3A_321 = vector.multi_reduction <maximumf>, %select_n3A_319, %reduce_max3A_320 [1] : vector<2048x128xf32> to vector<2048xf32>
    %broadcast_in_dim3A_322 = vector.shape_cast %reduce_max3A_321 : vector<2048xf32> to vector<2048x1xf32>
    %neg3A = arith.constant 0.000000e+00 : f32
    %neg3A_323 = vector.broadcast %neg3A : f32 to vector<2048x1xf32>
    %neg3A_324 = arith.subf %neg3A_323, %sub3A_301 : vector<2048x1xf32>
    %jit3A_325 = arith.constant 0.000000e+00 : f32
    %broadcast_in_dim3A_326 = vector.broadcast %jit3A_325 : f32 to vector<2048x1xf32>
    %select_n3A_327 = arith.select %ge3A_312, %neg3A_324, %broadcast_in_dim3A_326 : vector<2048x1xi1>, vector<2048x1xf32>
    %reduce_sum3A_328 = vector.shape_cast %select_n3A_327 : vector<2048x1xf32> to vector<1x2048x1xf32>
    %reduce_sum3A_329 = arith.constant dense<0.000000e+00> : vector<1xf32>
    %reduce_sum3A_330 = vector.multi_reduction <add>, %reduce_sum3A_328, %reduce_sum3A_329 [1, 2] : vector<1x2048x1xf32> to vector<1xf32>
    %reduce_sum3A_331 = vector.shape_cast %reduce_sum3A_330 : vector<1xf32> to vector<1x1x1xf32>
    %reduce_sum3A_332 = vector.extract %reduce_sum3A_331[0, 0, 0] : f32 from vector<1x1x1xf32>
    %add3A_333 = arith.constant 0.000000e+00 : f32
    %add3A_334 = arith.addf %add3A_333, %reduce_sum3A_332 : f32
    %jit3A_335 = arith.constant 1.000000e+00 : f32
    %jit3A_336 = arith.constant 0.000000e+00 : f32
    %broadcast_in_dim3A_337 = vector.broadcast %jit3A_335 : f32 to vector<2048x1xf32>
    %broadcast_in_dim3A_338 = vector.broadcast %jit3A_336 : f32 to vector<2048x1xf32>
    %select_n3A_339 = arith.select %ge3A_312, %broadcast_in_dim3A_337, %broadcast_in_dim3A_338 : vector<2048x1xi1>, vector<2048x1xf32>
    %reduce_sum3A_340 = vector.shape_cast %select_n3A_339 : vector<2048x1xf32> to vector<1x2048x1xf32>
    %reduce_sum3A_341 = arith.constant dense<0.000000e+00> : vector<1xf32>
    %reduce_sum3A_342 = vector.multi_reduction <add>, %reduce_sum3A_340, %reduce_sum3A_341 [1, 2] : vector<1x2048x1xf32> to vector<1xf32>
    %reduce_sum3A_343 = vector.shape_cast %reduce_sum3A_342 : vector<1xf32> to vector<1x1x1xf32>
    %reduce_sum3A_344 = vector.extract %reduce_sum3A_343[0, 0, 0] : f32 from vector<1x1x1xf32>
    %add3A_345 = arith.constant 0.000000e+00 : f32
    %add3A_346 = arith.addf %add3A_345, %reduce_sum3A_344 : f32
    %eq3A_347 = arith.cmpf oeq, %broadcast_in_dim3A_322, %broadcast_in_dim3A_309 : vector<2048x1xf32>
    %and3A = arith.andi %eq3A_347, %ge3A_312 : vector<2048x1xi1>
    %jit3A_348 = arith.constant 1.000000e+00 : f32
    %jit3A_349 = arith.constant 0.000000e+00 : f32
    %broadcast_in_dim3A_350 = vector.broadcast %jit3A_348 : f32 to vector<2048x1xf32>
    %broadcast_in_dim3A_351 = vector.broadcast %jit3A_349 : f32 to vector<2048x1xf32>
    %select_n3A_352 = arith.select %and3A, %broadcast_in_dim3A_350, %broadcast_in_dim3A_351 : vector<2048x1xi1>, vector<2048x1xf32>
    %reduce_sum3A_353 = vector.shape_cast %select_n3A_352 : vector<2048x1xf32> to vector<1x2048x1xf32>
    %reduce_sum3A_354 = arith.constant dense<0.000000e+00> : vector<1xf32>
    %reduce_sum3A_355 = vector.multi_reduction <add>, %reduce_sum3A_353, %reduce_sum3A_354 [1, 2] : vector<1x2048x1xf32> to vector<1xf32>
    %reduce_sum3A_356 = vector.shape_cast %reduce_sum3A_355 : vector<1xf32> to vector<1x1x1xf32>
    %reduce_sum3A_357 = vector.extract %reduce_sum3A_356[0, 0, 0] : f32 from vector<1x1x1xf32>
    %add3A_358 = arith.constant 0.000000e+00 : f32
    %add3A_359 = arith.addf %add3A_358, %reduce_sum3A_357 : f32
    %get3A_360 = arith.constant 1 : index
    %get3A_361 = arith.constant 0 : index
    %get3A_362 = arith.constant 0 : index
    %get3A_363 = vector.load %arg0[%get3A_360, %get3A_361, %get3A_362] : memref<8x2048x32xf32, #tpu.memory_space<vmem>>, vector<1x2048x32xf32>
    %get3A_364 = vector.shape_cast %get3A_363 : vector<1x2048x32xf32> to vector<2048x32xf32>
    %get3A_365 = arith.constant 1 : index
    %get3A_366 = arith.constant 0 : index
    %get3A_367 = vector.load %arg2[%get3A_365, %get3A_366] : memref<8x2048xi32, #tpu.memory_space<vmem>>, vector<1x2048xi32>
    %get3A_368 = vector.shape_cast %get3A_367 : vector<1x2048xi32> to vector<2048xi32>
    %broadcast_in_dim3A_369 = vector.shape_cast %get3A_368 : vector<2048xi32> to vector<2048x1xi32>
    %eq3A_370 = vector.broadcast %broadcast_in_dim3A_369 : vector<2048x1xi32> to vector<2048x128xi32>
    %eq3A_371 = vector.broadcast %iota3A : vector<1x128xi32> to vector<2048x128xi32>
    %eq3A_372 = arith.cmpi eq, %eq3A_370, %eq3A_371 : vector<2048x128xi32>
    %dot_general3A_373 = arith.constant dense<0.000000e+00> : vector<2048x128xf32>
    %dot_general3A_374 = tpu.matmul %get3A_364, %add3A_251, %dot_general3A_373 {dimension_numbers = #tpu.dot_dimension_numbers<[1], [1], [0], [0], [0, 0, 1, 0], [], []>, precision = #tpu.contract_precision<fp32>, transpose_lhs_hint = false} : vector<2048x32xf32>, vector<128x32xf32>, vector<2048x128xf32> -> vector<2048x128xf32>
    %mul3A_375 = vector.broadcast %mul3A_258 : vector<1x128xf32> to vector<2048x128xf32>
    %mul3A_376 = arith.mulf %dot_general3A_374, %mul3A_375 : vector<2048x128xf32>
    %sub3A_377 = vector.broadcast %select_n3A : vector<1x128xf32> to vector<2048x128xf32>
    %sub3A_378 = arith.subf %mul3A_376, %sub3A_377 : vector<2048x128xf32>
    %reduce_max3A_379 = arith.constant dense<0xFF800000> : vector<2048xf32>
    %reduce_max3A_380 = vector.multi_reduction <maximumf>, %sub3A_378, %reduce_max3A_379 [1] : vector<2048x128xf32> to vector<2048xf32>
    %broadcast_in_dim3A_381 = vector.shape_cast %reduce_max3A_380 : vector<2048xf32> to vector<2048x1xf32>
    %sub3A_382 = vector.broadcast %broadcast_in_dim3A_381 : vector<2048x1xf32> to vector<2048x128xf32>
    %sub3A_383 = arith.subf %sub3A_378, %sub3A_382 : vector<2048x128xf32>
    %exp3A_384 = math.exp %sub3A_383 : vector<2048x128xf32>
    %reduce_sum3A_385 = arith.constant dense<0.000000e+00> : vector<2048xf32>
    %reduce_sum3A_386 = vector.multi_reduction <add>, %exp3A_384, %reduce_sum3A_385 [1] : vector<2048x128xf32> to vector<2048xf32>
    %broadcast_in_dim3A_387 = vector.shape_cast %reduce_sum3A_386 : vector<2048xf32> to vector<2048x1xf32>
    %jit3A_388 = arith.constant 0.000000e+00 : f32
    %broadcast_in_dim3A_389 = vector.broadcast %jit3A_388 : f32 to vector<2048x128xf32>
    %select_n3A_390 = arith.select %eq3A_372, %sub3A_378, %broadcast_in_dim3A_389 : vector<2048x128xi1>, vector<2048x128xf32>
    %reduce_sum3A_391 = arith.constant dense<0.000000e+00> : vector<2048xf32>
    %reduce_sum3A_392 = vector.multi_reduction <add>, %select_n3A_390, %reduce_sum3A_391 [1] : vector<2048x128xf32> to vector<2048xf32>
    %broadcast_in_dim3A_393 = vector.shape_cast %reduce_sum3A_392 : vector<2048xf32> to vector<2048x1xf32>
    %sub3A_394 = arith.subf %broadcast_in_dim3A_393, %broadcast_in_dim3A_381 : vector<2048x1xf32>
    %log3A_395 = math.log %broadcast_in_dim3A_387 : vector<2048x1xf32>
    %sub3A_396 = arith.subf %sub3A_394, %log3A_395 : vector<2048x1xf32>
    %jit3A_397 = arith.constant -1.000000e+00 : f32
    %broadcast_in_dim3A_398 = vector.shape_cast %sub3A_267 : vector<1x128xf32> to vector<1x128xf32>
    %broadcast_in_dim3A_399 = vector.broadcast %broadcast_in_dim3A_398 : vector<1x128xf32> to vector<2048x128xf32>
    %broadcast_in_dim3A_400 = vector.broadcast %jit3A_397 : f32 to vector<2048x128xf32>
    %select_n3A_401 = arith.select %eq3A_372, %broadcast_in_dim3A_399, %broadcast_in_dim3A_400 : vector<2048x128xi1>, vector<2048x128xf32>
    %reduce_max3A_402 = arith.constant dense<0xFF800000> : vector<2048xf32>
    %reduce_max3A_403 = vector.multi_reduction <maximumf>, %select_n3A_401, %reduce_max3A_402 [1] : vector<2048x128xf32> to vector<2048xf32>
    %broadcast_in_dim3A_404 = vector.shape_cast %reduce_max3A_403 : vector<2048xf32> to vector<2048x1xf32>
    %ge3A_405 = arith.constant 0.000000e+00 : f32
    %ge3A_406 = vector.broadcast %ge3A_405 : f32 to vector<2048x1xf32>
    %ge3A_407 = arith.cmpf oge, %broadcast_in_dim3A_404, %ge3A_406 : vector<2048x1xf32>
    %eq3A_408 = vector.broadcast %broadcast_in_dim3A_381 : vector<2048x1xf32> to vector<2048x128xf32>
    %eq3A_409 = arith.cmpf oeq, %sub3A_378, %eq3A_408 : vector<2048x128xf32>
    %jit3A_410 = arith.constant -1.000000e+00 : f32
    %broadcast_in_dim3A_411 = vector.shape_cast %sub3A_267 : vector<1x128xf32> to vector<1x128xf32>
    %broadcast_in_dim3A_412 = vector.broadcast %broadcast_in_dim3A_411 : vector<1x128xf32> to vector<2048x128xf32>
    %broadcast_in_dim3A_413 = vector.broadcast %jit3A_410 : f32 to vector<2048x128xf32>
    %select_n3A_414 = arith.select %eq3A_409, %broadcast_in_dim3A_412, %broadcast_in_dim3A_413 : vector<2048x128xi1>, vector<2048x128xf32>
    %reduce_max3A_415 = arith.constant dense<0xFF800000> : vector<2048xf32>
    %reduce_max3A_416 = vector.multi_reduction <maximumf>, %select_n3A_414, %reduce_max3A_415 [1] : vector<2048x128xf32> to vector<2048xf32>
    %broadcast_in_dim3A_417 = vector.shape_cast %reduce_max3A_416 : vector<2048xf32> to vector<2048x1xf32>
    %neg3A_418 = arith.constant 0.000000e+00 : f32
    %neg3A_419 = vector.broadcast %neg3A_418 : f32 to vector<2048x1xf32>
    %neg3A_420 = arith.subf %neg3A_419, %sub3A_396 : vector<2048x1xf32>
    %jit3A_421 = arith.constant 0.000000e+00 : f32
    %broadcast_in_dim3A_422 = vector.broadcast %jit3A_421 : f32 to vector<2048x1xf32>
    %select_n3A_423 = arith.select %ge3A_407, %neg3A_420, %broadcast_in_dim3A_422 : vector<2048x1xi1>, vector<2048x1xf32>
    %reduce_sum3A_424 = vector.shape_cast %select_n3A_423 : vector<2048x1xf32> to vector<1x2048x1xf32>
    %reduce_sum3A_425 = arith.constant dense<0.000000e+00> : vector<1xf32>
    %reduce_sum3A_426 = vector.multi_reduction <add>, %reduce_sum3A_424, %reduce_sum3A_425 [1, 2] : vector<1x2048x1xf32> to vector<1xf32>
    %reduce_sum3A_427 = vector.shape_cast %reduce_sum3A_426 : vector<1xf32> to vector<1x1x1xf32>
    %reduce_sum3A_428 = vector.extract %reduce_sum3A_427[0, 0, 0] : f32 from vector<1x1x1xf32>
    %add3A_429 = arith.addf %add3A_334, %reduce_sum3A_428 : f32
    %jit3A_430 = arith.constant 1.000000e+00 : f32
    %jit3A_431 = arith.constant 0.000000e+00 : f32
    %broadcast_in_dim3A_432 = vector.broadcast %jit3A_430 : f32 to vector<2048x1xf32>
    %broadcast_in_dim3A_433 = vector.broadcast %jit3A_431 : f32 to vector<2048x1xf32>
    %select_n3A_434 = arith.select %ge3A_407, %broadcast_in_dim3A_432, %broadcast_in_dim3A_433 : vector<2048x1xi1>, vector<2048x1xf32>
    %reduce_sum3A_435 = vector.shape_cast %select_n3A_434 : vector<2048x1xf32> to vector<1x2048x1xf32>
    %reduce_sum3A_436 = arith.constant dense<0.000000e+00> : vector<1xf32>
    %reduce_sum3A_437 = vector.multi_reduction <add>, %reduce_sum3A_435, %reduce_sum3A_436 [1, 2] : vector<1x2048x1xf32> to vector<1xf32>
    %reduce_sum3A_438 = vector.shape_cast %reduce_sum3A_437 : vector<1xf32> to vector<1x1x1xf32>
    %reduce_sum3A_439 = vector.extract %reduce_sum3A_438[0, 0, 0] : f32 from vector<1x1x1xf32>
    %add3A_440 = arith.addf %add3A_346, %reduce_sum3A_439 : f32
    %eq3A_441 = arith.cmpf oeq, %broadcast_in_dim3A_417, %broadcast_in_dim3A_404 : vector<2048x1xf32>
    %and3A_442 = arith.andi %eq3A_441, %ge3A_407 : vector<2048x1xi1>
    %jit3A_443 = arith.constant 1.000000e+00 : f32
    %jit3A_444 = arith.constant 0.000000e+00 : f32
    %broadcast_in_dim3A_445 = vector.broadcast %jit3A_443 : f32 to vector<2048x1xf32>
    %broadcast_in_dim3A_446 = vector.broadcast %jit3A_444 : f32 to vector<2048x1xf32>
    %select_n3A_447 = arith.select %and3A_442, %broadcast_in_dim3A_445, %broadcast_in_dim3A_446 : vector<2048x1xi1>, vector<2048x1xf32>
    %reduce_sum3A_448 = vector.shape_cast %select_n3A_447 : vector<2048x1xf32> to vector<1x2048x1xf32>
    %reduce_sum3A_449 = arith.constant dense<0.000000e+00> : vector<1xf32>
    %reduce_sum3A_450 = vector.multi_reduction <add>, %reduce_sum3A_448, %reduce_sum3A_449 [1, 2] : vector<1x2048x1xf32> to vector<1xf32>
    %reduce_sum3A_451 = vector.shape_cast %reduce_sum3A_450 : vector<1xf32> to vector<1x1x1xf32>
    %reduce_sum3A_452 = vector.extract %reduce_sum3A_451[0, 0, 0] : f32 from vector<1x1x1xf32>
    %add3A_453 = arith.addf %add3A_359, %reduce_sum3A_452 : f32
    %get3A_454 = arith.constant 2 : index
    %get3A_455 = arith.constant 0 : index
    %get3A_456 = arith.constant 0 : index
    %get3A_457 = vector.load %arg0[%get3A_454, %get3A_455, %get3A_456] : memref<8x2048x32xf32, #tpu.memory_space<vmem>>, vector<1x2048x32xf32>
    %get3A_458 = vector.shape_cast %get3A_457 : vector<1x2048x32xf32> to vector<2048x32xf32>
    %get3A_459 = arith.constant 2 : index
    %get3A_460 = arith.constant 0 : index
    %get3A_461 = vector.load %arg2[%get3A_459, %get3A_460] : memref<8x2048xi32, #tpu.memory_space<vmem>>, vector<1x2048xi32>
    %get3A_462 = vector.shape_cast %get3A_461 : vector<1x2048xi32> to vector<2048xi32>
    %broadcast_in_dim3A_463 = vector.shape_cast %get3A_462 : vector<2048xi32> to vector<2048x1xi32>
    %eq3A_464 = vector.broadcast %broadcast_in_dim3A_463 : vector<2048x1xi32> to vector<2048x128xi32>
    %eq3A_465 = vector.broadcast %iota3A : vector<1x128xi32> to vector<2048x128xi32>
    %eq3A_466 = arith.cmpi eq, %eq3A_464, %eq3A_465 : vector<2048x128xi32>
    %dot_general3A_467 = arith.constant dense<0.000000e+00> : vector<2048x128xf32>
    %dot_general3A_468 = tpu.matmul %get3A_458, %add3A_251, %dot_general3A_467 {dimension_numbers = #tpu.dot_dimension_numbers<[1], [1], [0], [0], [0, 0, 1, 0], [], []>, precision = #tpu.contract_precision<fp32>, transpose_lhs_hint = false} : vector<2048x32xf32>, vector<128x32xf32>, vector<2048x128xf32> -> vector<2048x128xf32>
    %mul3A_469 = vector.broadcast %mul3A_258 : vector<1x128xf32> to vector<2048x128xf32>
    %mul3A_470 = arith.mulf %dot_general3A_468, %mul3A_469 : vector<2048x128xf32>
    %sub3A_471 = vector.broadcast %select_n3A : vector<1x128xf32> to vector<2048x128xf32>
    %sub3A_472 = arith.subf %mul3A_470, %sub3A_471 : vector<2048x128xf32>
    %reduce_max3A_473 = arith.constant dense<0xFF800000> : vector<2048xf32>
    %reduce_max3A_474 = vector.multi_reduction <maximumf>, %sub3A_472, %reduce_max3A_473 [1] : vector<2048x128xf32> to vector<2048xf32>
    %broadcast_in_dim3A_475 = vector.shape_cast %reduce_max3A_474 : vector<2048xf32> to vector<2048x1xf32>
    %sub3A_476 = vector.broadcast %broadcast_in_dim3A_475 : vector<2048x1xf32> to vector<2048x128xf32>
    %sub3A_477 = arith.subf %sub3A_472, %sub3A_476 : vector<2048x128xf32>
    %exp3A_478 = math.exp %sub3A_477 : vector<2048x128xf32>
    %reduce_sum3A_479 = arith.constant dense<0.000000e+00> : vector<2048xf32>
    %reduce_sum3A_480 = vector.multi_reduction <add>, %exp3A_478, %reduce_sum3A_479 [1] : vector<2048x128xf32> to vector<2048xf32>
    %broadcast_in_dim3A_481 = vector.shape_cast %reduce_sum3A_480 : vector<2048xf32> to vector<2048x1xf32>
    %jit3A_482 = arith.constant 0.000000e+00 : f32
    %broadcast_in_dim3A_483 = vector.broadcast %jit3A_482 : f32 to vector<2048x128xf32>
    %select_n3A_484 = arith.select %eq3A_466, %sub3A_472, %broadcast_in_dim3A_483 : vector<2048x128xi1>, vector<2048x128xf32>
    %reduce_sum3A_485 = arith.constant dense<0.000000e+00> : vector<2048xf32>
    %reduce_sum3A_486 = vector.multi_reduction <add>, %select_n3A_484, %reduce_sum3A_485 [1] : vector<2048x128xf32> to vector<2048xf32>
    %broadcast_in_dim3A_487 = vector.shape_cast %reduce_sum3A_486 : vector<2048xf32> to vector<2048x1xf32>
    %sub3A_488 = arith.subf %broadcast_in_dim3A_487, %broadcast_in_dim3A_475 : vector<2048x1xf32>
    %log3A_489 = math.log %broadcast_in_dim3A_481 : vector<2048x1xf32>
    %sub3A_490 = arith.subf %sub3A_488, %log3A_489 : vector<2048x1xf32>
    %jit3A_491 = arith.constant -1.000000e+00 : f32
    %broadcast_in_dim3A_492 = vector.shape_cast %sub3A_267 : vector<1x128xf32> to vector<1x128xf32>
    %broadcast_in_dim3A_493 = vector.broadcast %broadcast_in_dim3A_492 : vector<1x128xf32> to vector<2048x128xf32>
    %broadcast_in_dim3A_494 = vector.broadcast %jit3A_491 : f32 to vector<2048x128xf32>
    %select_n3A_495 = arith.select %eq3A_466, %broadcast_in_dim3A_493, %broadcast_in_dim3A_494 : vector<2048x128xi1>, vector<2048x128xf32>
    %reduce_max3A_496 = arith.constant dense<0xFF800000> : vector<2048xf32>
    %reduce_max3A_497 = vector.multi_reduction <maximumf>, %select_n3A_495, %reduce_max3A_496 [1] : vector<2048x128xf32> to vector<2048xf32>
    %broadcast_in_dim3A_498 = vector.shape_cast %reduce_max3A_497 : vector<2048xf32> to vector<2048x1xf32>
    %ge3A_499 = arith.constant 0.000000e+00 : f32
    %ge3A_500 = vector.broadcast %ge3A_499 : f32 to vector<2048x1xf32>
    %ge3A_501 = arith.cmpf oge, %broadcast_in_dim3A_498, %ge3A_500 : vector<2048x1xf32>
    %eq3A_502 = vector.broadcast %broadcast_in_dim3A_475 : vector<2048x1xf32> to vector<2048x128xf32>
    %eq3A_503 = arith.cmpf oeq, %sub3A_472, %eq3A_502 : vector<2048x128xf32>
    %jit3A_504 = arith.constant -1.000000e+00 : f32
    %broadcast_in_dim3A_505 = vector.shape_cast %sub3A_267 : vector<1x128xf32> to vector<1x128xf32>
    %broadcast_in_dim3A_506 = vector.broadcast %broadcast_in_dim3A_505 : vector<1x128xf32> to vector<2048x128xf32>
    %broadcast_in_dim3A_507 = vector.broadcast %jit3A_504 : f32 to vector<2048x128xf32>
    %select_n3A_508 = arith.select %eq3A_503, %broadcast_in_dim3A_506, %broadcast_in_dim3A_507 : vector<2048x128xi1>, vector<2048x128xf32>
    %reduce_max3A_509 = arith.constant dense<0xFF800000> : vector<2048xf32>
    %reduce_max3A_510 = vector.multi_reduction <maximumf>, %select_n3A_508, %reduce_max3A_509 [1] : vector<2048x128xf32> to vector<2048xf32>
    %broadcast_in_dim3A_511 = vector.shape_cast %reduce_max3A_510 : vector<2048xf32> to vector<2048x1xf32>
    %neg3A_512 = arith.constant 0.000000e+00 : f32
    %neg3A_513 = vector.broadcast %neg3A_512 : f32 to vector<2048x1xf32>
    %neg3A_514 = arith.subf %neg3A_513, %sub3A_490 : vector<2048x1xf32>
    %jit3A_515 = arith.constant 0.000000e+00 : f32
    %broadcast_in_dim3A_516 = vector.broadcast %jit3A_515 : f32 to vector<2048x1xf32>
    %select_n3A_517 = arith.select %ge3A_501, %neg3A_514, %broadcast_in_dim3A_516 : vector<2048x1xi1>, vector<2048x1xf32>
    %reduce_sum3A_518 = vector.shape_cast %select_n3A_517 : vector<2048x1xf32> to vector<1x2048x1xf32>
    %reduce_sum3A_519 = arith.constant dense<0.000000e+00> : vector<1xf32>
    %reduce_sum3A_520 = vector.multi_reduction <add>, %reduce_sum3A_518, %reduce_sum3A_519 [1, 2] : vector<1x2048x1xf32> to vector<1xf32>
    %reduce_sum3A_521 = vector.shape_cast %reduce_sum3A_520 : vector<1xf32> to vector<1x1x1xf32>
    %reduce_sum3A_522 = vector.extract %reduce_sum3A_521[0, 0, 0] : f32 from vector<1x1x1xf32>
    %add3A_523 = arith.addf %add3A_429, %reduce_sum3A_522 : f32
    %jit3A_524 = arith.constant 1.000000e+00 : f32
    %jit3A_525 = arith.constant 0.000000e+00 : f32
    %broadcast_in_dim3A_526 = vector.broadcast %jit3A_524 : f32 to vector<2048x1xf32>
    %broadcast_in_dim3A_527 = vector.broadcast %jit3A_525 : f32 to vector<2048x1xf32>
    %select_n3A_528 = arith.select %ge3A_501, %broadcast_in_dim3A_526, %broadcast_in_dim3A_527 : vector<2048x1xi1>, vector<2048x1xf32>
    %reduce_sum3A_529 = vector.shape_cast %select_n3A_528 : vector<2048x1xf32> to vector<1x2048x1xf32>
    %reduce_sum3A_530 = arith.constant dense<0.000000e+00> : vector<1xf32>
    %reduce_sum3A_531 = vector.multi_reduction <add>, %reduce_sum3A_529, %reduce_sum3A_530 [1, 2] : vector<1x2048x1xf32> to vector<1xf32>
    %reduce_sum3A_532 = vector.shape_cast %reduce_sum3A_531 : vector<1xf32> to vector<1x1x1xf32>
    %reduce_sum3A_533 = vector.extract %reduce_sum3A_532[0, 0, 0] : f32 from vector<1x1x1xf32>
    %add3A_534 = arith.addf %add3A_440, %reduce_sum3A_533 : f32
    %eq3A_535 = arith.cmpf oeq, %broadcast_in_dim3A_511, %broadcast_in_dim3A_498 : vector<2048x1xf32>
    %and3A_536 = arith.andi %eq3A_535, %ge3A_501 : vector<2048x1xi1>
    %jit3A_537 = arith.constant 1.000000e+00 : f32
    %jit3A_538 = arith.constant 0.000000e+00 : f32
    %broadcast_in_dim3A_539 = vector.broadcast %jit3A_537 : f32 to vector<2048x1xf32>
    %broadcast_in_dim3A_540 = vector.broadcast %jit3A_538 : f32 to vector<2048x1xf32>
    %select_n3A_541 = arith.select %and3A_536, %broadcast_in_dim3A_539, %broadcast_in_dim3A_540 : vector<2048x1xi1>, vector<2048x1xf32>
    %reduce_sum3A_542 = vector.shape_cast %select_n3A_541 : vector<2048x1xf32> to vector<1x2048x1xf32>
    %reduce_sum3A_543 = arith.constant dense<0.000000e+00> : vector<1xf32>
    %reduce_sum3A_544 = vector.multi_reduction <add>, %reduce_sum3A_542, %reduce_sum3A_543 [1, 2] : vector<1x2048x1xf32> to vector<1xf32>
    %reduce_sum3A_545 = vector.shape_cast %reduce_sum3A_544 : vector<1xf32> to vector<1x1x1xf32>
    %reduce_sum3A_546 = vector.extract %reduce_sum3A_545[0, 0, 0] : f32 from vector<1x1x1xf32>
    %add3A_547 = arith.addf %add3A_453, %reduce_sum3A_546 : f32
    %get3A_548 = arith.constant 3 : index
    %get3A_549 = arith.constant 0 : index
    %get3A_550 = arith.constant 0 : index
    %get3A_551 = vector.load %arg0[%get3A_548, %get3A_549, %get3A_550] : memref<8x2048x32xf32, #tpu.memory_space<vmem>>, vector<1x2048x32xf32>
    %get3A_552 = vector.shape_cast %get3A_551 : vector<1x2048x32xf32> to vector<2048x32xf32>
    %get3A_553 = arith.constant 3 : index
    %get3A_554 = arith.constant 0 : index
    %get3A_555 = vector.load %arg2[%get3A_553, %get3A_554] : memref<8x2048xi32, #tpu.memory_space<vmem>>, vector<1x2048xi32>
    %get3A_556 = vector.shape_cast %get3A_555 : vector<1x2048xi32> to vector<2048xi32>
    %broadcast_in_dim3A_557 = vector.shape_cast %get3A_556 : vector<2048xi32> to vector<2048x1xi32>
    %eq3A_558 = vector.broadcast %broadcast_in_dim3A_557 : vector<2048x1xi32> to vector<2048x128xi32>
    %eq3A_559 = vector.broadcast %iota3A : vector<1x128xi32> to vector<2048x128xi32>
    %eq3A_560 = arith.cmpi eq, %eq3A_558, %eq3A_559 : vector<2048x128xi32>
    %dot_general3A_561 = arith.constant dense<0.000000e+00> : vector<2048x128xf32>
    %dot_general3A_562 = tpu.matmul %get3A_552, %add3A_251, %dot_general3A_561 {dimension_numbers = #tpu.dot_dimension_numbers<[1], [1], [0], [0], [0, 0, 1, 0], [], []>, precision = #tpu.contract_precision<fp32>, transpose_lhs_hint = false} : vector<2048x32xf32>, vector<128x32xf32>, vector<2048x128xf32> -> vector<2048x128xf32>
    %mul3A_563 = vector.broadcast %mul3A_258 : vector<1x128xf32> to vector<2048x128xf32>
    %mul3A_564 = arith.mulf %dot_general3A_562, %mul3A_563 : vector<2048x128xf32>
    %sub3A_565 = vector.broadcast %select_n3A : vector<1x128xf32> to vector<2048x128xf32>
    %sub3A_566 = arith.subf %mul3A_564, %sub3A_565 : vector<2048x128xf32>
    %reduce_max3A_567 = arith.constant dense<0xFF800000> : vector<2048xf32>
    %reduce_max3A_568 = vector.multi_reduction <maximumf>, %sub3A_566, %reduce_max3A_567 [1] : vector<2048x128xf32> to vector<2048xf32>
    %broadcast_in_dim3A_569 = vector.shape_cast %reduce_max3A_568 : vector<2048xf32> to vector<2048x1xf32>
    %sub3A_570 = vector.broadcast %broadcast_in_dim3A_569 : vector<2048x1xf32> to vector<2048x128xf32>
    %sub3A_571 = arith.subf %sub3A_566, %sub3A_570 : vector<2048x128xf32>
    %exp3A_572 = math.exp %sub3A_571 : vector<2048x128xf32>
    %reduce_sum3A_573 = arith.constant dense<0.000000e+00> : vector<2048xf32>
    %reduce_sum3A_574 = vector.multi_reduction <add>, %exp3A_572, %reduce_sum3A_573 [1] : vector<2048x128xf32> to vector<2048xf32>
    %broadcast_in_dim3A_575 = vector.shape_cast %reduce_sum3A_574 : vector<2048xf32> to vector<2048x1xf32>
    %jit3A_576 = arith.constant 0.000000e+00 : f32
    %broadcast_in_dim3A_577 = vector.broadcast %jit3A_576 : f32 to vector<2048x128xf32>
    %select_n3A_578 = arith.select %eq3A_560, %sub3A_566, %broadcast_in_dim3A_577 : vector<2048x128xi1>, vector<2048x128xf32>
    %reduce_sum3A_579 = arith.constant dense<0.000000e+00> : vector<2048xf32>
    %reduce_sum3A_580 = vector.multi_reduction <add>, %select_n3A_578, %reduce_sum3A_579 [1] : vector<2048x128xf32> to vector<2048xf32>
    %broadcast_in_dim3A_581 = vector.shape_cast %reduce_sum3A_580 : vector<2048xf32> to vector<2048x1xf32>
    %sub3A_582 = arith.subf %broadcast_in_dim3A_581, %broadcast_in_dim3A_569 : vector<2048x1xf32>
    %log3A_583 = math.log %broadcast_in_dim3A_575 : vector<2048x1xf32>
    %sub3A_584 = arith.subf %sub3A_582, %log3A_583 : vector<2048x1xf32>
    %jit3A_585 = arith.constant -1.000000e+00 : f32
    %broadcast_in_dim3A_586 = vector.shape_cast %sub3A_267 : vector<1x128xf32> to vector<1x128xf32>
    %broadcast_in_dim3A_587 = vector.broadcast %broadcast_in_dim3A_586 : vector<1x128xf32> to vector<2048x128xf32>
    %broadcast_in_dim3A_588 = vector.broadcast %jit3A_585 : f32 to vector<2048x128xf32>
    %select_n3A_589 = arith.select %eq3A_560, %broadcast_in_dim3A_587, %broadcast_in_dim3A_588 : vector<2048x128xi1>, vector<2048x128xf32>
    %reduce_max3A_590 = arith.constant dense<0xFF800000> : vector<2048xf32>
    %reduce_max3A_591 = vector.multi_reduction <maximumf>, %select_n3A_589, %reduce_max3A_590 [1] : vector<2048x128xf32> to vector<2048xf32>
    %broadcast_in_dim3A_592 = vector.shape_cast %reduce_max3A_591 : vector<2048xf32> to vector<2048x1xf32>
    %ge3A_593 = arith.constant 0.000000e+00 : f32
    %ge3A_594 = vector.broadcast %ge3A_593 : f32 to vector<2048x1xf32>
    %ge3A_595 = arith.cmpf oge, %broadcast_in_dim3A_592, %ge3A_594 : vector<2048x1xf32>
    %eq3A_596 = vector.broadcast %broadcast_in_dim3A_569 : vector<2048x1xf32> to vector<2048x128xf32>
    %eq3A_597 = arith.cmpf oeq, %sub3A_566, %eq3A_596 : vector<2048x128xf32>
    %jit3A_598 = arith.constant -1.000000e+00 : f32
    %broadcast_in_dim3A_599 = vector.shape_cast %sub3A_267 : vector<1x128xf32> to vector<1x128xf32>
    %broadcast_in_dim3A_600 = vector.broadcast %broadcast_in_dim3A_599 : vector<1x128xf32> to vector<2048x128xf32>
    %broadcast_in_dim3A_601 = vector.broadcast %jit3A_598 : f32 to vector<2048x128xf32>
    %select_n3A_602 = arith.select %eq3A_597, %broadcast_in_dim3A_600, %broadcast_in_dim3A_601 : vector<2048x128xi1>, vector<2048x128xf32>
    %reduce_max3A_603 = arith.constant dense<0xFF800000> : vector<2048xf32>
    %reduce_max3A_604 = vector.multi_reduction <maximumf>, %select_n3A_602, %reduce_max3A_603 [1] : vector<2048x128xf32> to vector<2048xf32>
    %broadcast_in_dim3A_605 = vector.shape_cast %reduce_max3A_604 : vector<2048xf32> to vector<2048x1xf32>
    %neg3A_606 = arith.constant 0.000000e+00 : f32
    %neg3A_607 = vector.broadcast %neg3A_606 : f32 to vector<2048x1xf32>
    %neg3A_608 = arith.subf %neg3A_607, %sub3A_584 : vector<2048x1xf32>
    %jit3A_609 = arith.constant 0.000000e+00 : f32
    %broadcast_in_dim3A_610 = vector.broadcast %jit3A_609 : f32 to vector<2048x1xf32>
    %select_n3A_611 = arith.select %ge3A_595, %neg3A_608, %broadcast_in_dim3A_610 : vector<2048x1xi1>, vector<2048x1xf32>
    %reduce_sum3A_612 = vector.shape_cast %select_n3A_611 : vector<2048x1xf32> to vector<1x2048x1xf32>
    %reduce_sum3A_613 = arith.constant dense<0.000000e+00> : vector<1xf32>
    %reduce_sum3A_614 = vector.multi_reduction <add>, %reduce_sum3A_612, %reduce_sum3A_613 [1, 2] : vector<1x2048x1xf32> to vector<1xf32>
    %reduce_sum3A_615 = vector.shape_cast %reduce_sum3A_614 : vector<1xf32> to vector<1x1x1xf32>
    %reduce_sum3A_616 = vector.extract %reduce_sum3A_615[0, 0, 0] : f32 from vector<1x1x1xf32>
    %add3A_617 = arith.addf %add3A_523, %reduce_sum3A_616 : f32
    %jit3A_618 = arith.constant 1.000000e+00 : f32
    %jit3A_619 = arith.constant 0.000000e+00 : f32
    %broadcast_in_dim3A_620 = vector.broadcast %jit3A_618 : f32 to vector<2048x1xf32>
    %broadcast_in_dim3A_621 = vector.broadcast %jit3A_619 : f32 to vector<2048x1xf32>
    %select_n3A_622 = arith.select %ge3A_595, %broadcast_in_dim3A_620, %broadcast_in_dim3A_621 : vector<2048x1xi1>, vector<2048x1xf32>
    %reduce_sum3A_623 = vector.shape_cast %select_n3A_622 : vector<2048x1xf32> to vector<1x2048x1xf32>
    %reduce_sum3A_624 = arith.constant dense<0.000000e+00> : vector<1xf32>
    %reduce_sum3A_625 = vector.multi_reduction <add>, %reduce_sum3A_623, %reduce_sum3A_624 [1, 2] : vector<1x2048x1xf32> to vector<1xf32>
    %reduce_sum3A_626 = vector.shape_cast %reduce_sum3A_625 : vector<1xf32> to vector<1x1x1xf32>
    %reduce_sum3A_627 = vector.extract %reduce_sum3A_626[0, 0, 0] : f32 from vector<1x1x1xf32>
    %add3A_628 = arith.addf %add3A_534, %reduce_sum3A_627 : f32
    %eq3A_629 = arith.cmpf oeq, %broadcast_in_dim3A_605, %broadcast_in_dim3A_592 : vector<2048x1xf32>
    %and3A_630 = arith.andi %eq3A_629, %ge3A_595 : vector<2048x1xi1>
    %jit3A_631 = arith.constant 1.000000e+00 : f32
    %jit3A_632 = arith.constant 0.000000e+00 : f32
    %broadcast_in_dim3A_633 = vector.broadcast %jit3A_631 : f32 to vector<2048x1xf32>
    %broadcast_in_dim3A_634 = vector.broadcast %jit3A_632 : f32 to vector<2048x1xf32>
    %select_n3A_635 = arith.select %and3A_630, %broadcast_in_dim3A_633, %broadcast_in_dim3A_634 : vector<2048x1xi1>, vector<2048x1xf32>
    %reduce_sum3A_636 = vector.shape_cast %select_n3A_635 : vector<2048x1xf32> to vector<1x2048x1xf32>
    %reduce_sum3A_637 = arith.constant dense<0.000000e+00> : vector<1xf32>
    %reduce_sum3A_638 = vector.multi_reduction <add>, %reduce_sum3A_636, %reduce_sum3A_637 [1, 2] : vector<1x2048x1xf32> to vector<1xf32>
    %reduce_sum3A_639 = vector.shape_cast %reduce_sum3A_638 : vector<1xf32> to vector<1x1x1xf32>
    %reduce_sum3A_640 = vector.extract %reduce_sum3A_639[0, 0, 0] : f32 from vector<1x1x1xf32>
    %add3A_641 = arith.addf %add3A_547, %reduce_sum3A_640 : f32
    %get3A_642 = arith.constant 4 : index
    %get3A_643 = arith.constant 0 : index
    %get3A_644 = arith.constant 0 : index
    %get3A_645 = vector.load %arg0[%get3A_642, %get3A_643, %get3A_644] : memref<8x2048x32xf32, #tpu.memory_space<vmem>>, vector<1x2048x32xf32>
    %get3A_646 = vector.shape_cast %get3A_645 : vector<1x2048x32xf32> to vector<2048x32xf32>
    %get3A_647 = arith.constant 4 : index
    %get3A_648 = arith.constant 0 : index
    %get3A_649 = vector.load %arg2[%get3A_647, %get3A_648] : memref<8x2048xi32, #tpu.memory_space<vmem>>, vector<1x2048xi32>
    %get3A_650 = vector.shape_cast %get3A_649 : vector<1x2048xi32> to vector<2048xi32>
    %broadcast_in_dim3A_651 = vector.shape_cast %get3A_650 : vector<2048xi32> to vector<2048x1xi32>
    %eq3A_652 = vector.broadcast %broadcast_in_dim3A_651 : vector<2048x1xi32> to vector<2048x128xi32>
    %eq3A_653 = vector.broadcast %iota3A : vector<1x128xi32> to vector<2048x128xi32>
    %eq3A_654 = arith.cmpi eq, %eq3A_652, %eq3A_653 : vector<2048x128xi32>
    %dot_general3A_655 = arith.constant dense<0.000000e+00> : vector<2048x128xf32>
    %dot_general3A_656 = tpu.matmul %get3A_646, %add3A_251, %dot_general3A_655 {dimension_numbers = #tpu.dot_dimension_numbers<[1], [1], [0], [0], [0, 0, 1, 0], [], []>, precision = #tpu.contract_precision<fp32>, transpose_lhs_hint = false} : vector<2048x32xf32>, vector<128x32xf32>, vector<2048x128xf32> -> vector<2048x128xf32>
    %mul3A_657 = vector.broadcast %mul3A_258 : vector<1x128xf32> to vector<2048x128xf32>
    %mul3A_658 = arith.mulf %dot_general3A_656, %mul3A_657 : vector<2048x128xf32>
    %sub3A_659 = vector.broadcast %select_n3A : vector<1x128xf32> to vector<2048x128xf32>
    %sub3A_660 = arith.subf %mul3A_658, %sub3A_659 : vector<2048x128xf32>
    %reduce_max3A_661 = arith.constant dense<0xFF800000> : vector<2048xf32>
    %reduce_max3A_662 = vector.multi_reduction <maximumf>, %sub3A_660, %reduce_max3A_661 [1] : vector<2048x128xf32> to vector<2048xf32>
    %broadcast_in_dim3A_663 = vector.shape_cast %reduce_max3A_662 : vector<2048xf32> to vector<2048x1xf32>
    %sub3A_664 = vector.broadcast %broadcast_in_dim3A_663 : vector<2048x1xf32> to vector<2048x128xf32>
    %sub3A_665 = arith.subf %sub3A_660, %sub3A_664 : vector<2048x128xf32>
    %exp3A_666 = math.exp %sub3A_665 : vector<2048x128xf32>
    %reduce_sum3A_667 = arith.constant dense<0.000000e+00> : vector<2048xf32>
    %reduce_sum3A_668 = vector.multi_reduction <add>, %exp3A_666, %reduce_sum3A_667 [1] : vector<2048x128xf32> to vector<2048xf32>
    %broadcast_in_dim3A_669 = vector.shape_cast %reduce_sum3A_668 : vector<2048xf32> to vector<2048x1xf32>
    %jit3A_670 = arith.constant 0.000000e+00 : f32
    %broadcast_in_dim3A_671 = vector.broadcast %jit3A_670 : f32 to vector<2048x128xf32>
    %select_n3A_672 = arith.select %eq3A_654, %sub3A_660, %broadcast_in_dim3A_671 : vector<2048x128xi1>, vector<2048x128xf32>
    %reduce_sum3A_673 = arith.constant dense<0.000000e+00> : vector<2048xf32>
    %reduce_sum3A_674 = vector.multi_reduction <add>, %select_n3A_672, %reduce_sum3A_673 [1] : vector<2048x128xf32> to vector<2048xf32>
    %broadcast_in_dim3A_675 = vector.shape_cast %reduce_sum3A_674 : vector<2048xf32> to vector<2048x1xf32>
    %sub3A_676 = arith.subf %broadcast_in_dim3A_675, %broadcast_in_dim3A_663 : vector<2048x1xf32>
    %log3A_677 = math.log %broadcast_in_dim3A_669 : vector<2048x1xf32>
    %sub3A_678 = arith.subf %sub3A_676, %log3A_677 : vector<2048x1xf32>
    %jit3A_679 = arith.constant -1.000000e+00 : f32
    %broadcast_in_dim3A_680 = vector.shape_cast %sub3A_267 : vector<1x128xf32> to vector<1x128xf32>
    %broadcast_in_dim3A_681 = vector.broadcast %broadcast_in_dim3A_680 : vector<1x128xf32> to vector<2048x128xf32>
    %broadcast_in_dim3A_682 = vector.broadcast %jit3A_679 : f32 to vector<2048x128xf32>
    %select_n3A_683 = arith.select %eq3A_654, %broadcast_in_dim3A_681, %broadcast_in_dim3A_682 : vector<2048x128xi1>, vector<2048x128xf32>
    %reduce_max3A_684 = arith.constant dense<0xFF800000> : vector<2048xf32>
    %reduce_max3A_685 = vector.multi_reduction <maximumf>, %select_n3A_683, %reduce_max3A_684 [1] : vector<2048x128xf32> to vector<2048xf32>
    %broadcast_in_dim3A_686 = vector.shape_cast %reduce_max3A_685 : vector<2048xf32> to vector<2048x1xf32>
    %ge3A_687 = arith.constant 0.000000e+00 : f32
    %ge3A_688 = vector.broadcast %ge3A_687 : f32 to vector<2048x1xf32>
    %ge3A_689 = arith.cmpf oge, %broadcast_in_dim3A_686, %ge3A_688 : vector<2048x1xf32>
    %eq3A_690 = vector.broadcast %broadcast_in_dim3A_663 : vector<2048x1xf32> to vector<2048x128xf32>
    %eq3A_691 = arith.cmpf oeq, %sub3A_660, %eq3A_690 : vector<2048x128xf32>
    %jit3A_692 = arith.constant -1.000000e+00 : f32
    %broadcast_in_dim3A_693 = vector.shape_cast %sub3A_267 : vector<1x128xf32> to vector<1x128xf32>
    %broadcast_in_dim3A_694 = vector.broadcast %broadcast_in_dim3A_693 : vector<1x128xf32> to vector<2048x128xf32>
    %broadcast_in_dim3A_695 = vector.broadcast %jit3A_692 : f32 to vector<2048x128xf32>
    %select_n3A_696 = arith.select %eq3A_691, %broadcast_in_dim3A_694, %broadcast_in_dim3A_695 : vector<2048x128xi1>, vector<2048x128xf32>
    %reduce_max3A_697 = arith.constant dense<0xFF800000> : vector<2048xf32>
    %reduce_max3A_698 = vector.multi_reduction <maximumf>, %select_n3A_696, %reduce_max3A_697 [1] : vector<2048x128xf32> to vector<2048xf32>
    %broadcast_in_dim3A_699 = vector.shape_cast %reduce_max3A_698 : vector<2048xf32> to vector<2048x1xf32>
    %neg3A_700 = arith.constant 0.000000e+00 : f32
    %neg3A_701 = vector.broadcast %neg3A_700 : f32 to vector<2048x1xf32>
    %neg3A_702 = arith.subf %neg3A_701, %sub3A_678 : vector<2048x1xf32>
    %jit3A_703 = arith.constant 0.000000e+00 : f32
    %broadcast_in_dim3A_704 = vector.broadcast %jit3A_703 : f32 to vector<2048x1xf32>
    %select_n3A_705 = arith.select %ge3A_689, %neg3A_702, %broadcast_in_dim3A_704 : vector<2048x1xi1>, vector<2048x1xf32>
    %reduce_sum3A_706 = vector.shape_cast %select_n3A_705 : vector<2048x1xf32> to vector<1x2048x1xf32>
    %reduce_sum3A_707 = arith.constant dense<0.000000e+00> : vector<1xf32>
    %reduce_sum3A_708 = vector.multi_reduction <add>, %reduce_sum3A_706, %reduce_sum3A_707 [1, 2] : vector<1x2048x1xf32> to vector<1xf32>
    %reduce_sum3A_709 = vector.shape_cast %reduce_sum3A_708 : vector<1xf32> to vector<1x1x1xf32>
    %reduce_sum3A_710 = vector.extract %reduce_sum3A_709[0, 0, 0] : f32 from vector<1x1x1xf32>
    %add3A_711 = arith.addf %add3A_617, %reduce_sum3A_710 : f32
    %jit3A_712 = arith.constant 1.000000e+00 : f32
    %jit3A_713 = arith.constant 0.000000e+00 : f32
    %broadcast_in_dim3A_714 = vector.broadcast %jit3A_712 : f32 to vector<2048x1xf32>
    %broadcast_in_dim3A_715 = vector.broadcast %jit3A_713 : f32 to vector<2048x1xf32>
    %select_n3A_716 = arith.select %ge3A_689, %broadcast_in_dim3A_714, %broadcast_in_dim3A_715 : vector<2048x1xi1>, vector<2048x1xf32>
    %reduce_sum3A_717 = vector.shape_cast %select_n3A_716 : vector<2048x1xf32> to vector<1x2048x1xf32>
    %reduce_sum3A_718 = arith.constant dense<0.000000e+00> : vector<1xf32>
    %reduce_sum3A_719 = vector.multi_reduction <add>, %reduce_sum3A_717, %reduce_sum3A_718 [1, 2] : vector<1x2048x1xf32> to vector<1xf32>
    %reduce_sum3A_720 = vector.shape_cast %reduce_sum3A_719 : vector<1xf32> to vector<1x1x1xf32>
    %reduce_sum3A_721 = vector.extract %reduce_sum3A_720[0, 0, 0] : f32 from vector<1x1x1xf32>
    %add3A_722 = arith.addf %add3A_628, %reduce_sum3A_721 : f32
    %eq3A_723 = arith.cmpf oeq, %broadcast_in_dim3A_699, %broadcast_in_dim3A_686 : vector<2048x1xf32>
    %and3A_724 = arith.andi %eq3A_723, %ge3A_689 : vector<2048x1xi1>
    %jit3A_725 = arith.constant 1.000000e+00 : f32
    %jit3A_726 = arith.constant 0.000000e+00 : f32
    %broadcast_in_dim3A_727 = vector.broadcast %jit3A_725 : f32 to vector<2048x1xf32>
    %broadcast_in_dim3A_728 = vector.broadcast %jit3A_726 : f32 to vector<2048x1xf32>
    %select_n3A_729 = arith.select %and3A_724, %broadcast_in_dim3A_727, %broadcast_in_dim3A_728 : vector<2048x1xi1>, vector<2048x1xf32>
    %reduce_sum3A_730 = vector.shape_cast %select_n3A_729 : vector<2048x1xf32> to vector<1x2048x1xf32>
    %reduce_sum3A_731 = arith.constant dense<0.000000e+00> : vector<1xf32>
    %reduce_sum3A_732 = vector.multi_reduction <add>, %reduce_sum3A_730, %reduce_sum3A_731 [1, 2] : vector<1x2048x1xf32> to vector<1xf32>
    %reduce_sum3A_733 = vector.shape_cast %reduce_sum3A_732 : vector<1xf32> to vector<1x1x1xf32>
    %reduce_sum3A_734 = vector.extract %reduce_sum3A_733[0, 0, 0] : f32 from vector<1x1x1xf32>
    %add3A_735 = arith.addf %add3A_641, %reduce_sum3A_734 : f32
    %get3A_736 = arith.constant 5 : index
    %get3A_737 = arith.constant 0 : index
    %get3A_738 = arith.constant 0 : index
    %get3A_739 = vector.load %arg0[%get3A_736, %get3A_737, %get3A_738] : memref<8x2048x32xf32, #tpu.memory_space<vmem>>, vector<1x2048x32xf32>
    %get3A_740 = vector.shape_cast %get3A_739 : vector<1x2048x32xf32> to vector<2048x32xf32>
    %get3A_741 = arith.constant 5 : index
    %get3A_742 = arith.constant 0 : index
    %get3A_743 = vector.load %arg2[%get3A_741, %get3A_742] : memref<8x2048xi32, #tpu.memory_space<vmem>>, vector<1x2048xi32>
    %get3A_744 = vector.shape_cast %get3A_743 : vector<1x2048xi32> to vector<2048xi32>
    %broadcast_in_dim3A_745 = vector.shape_cast %get3A_744 : vector<2048xi32> to vector<2048x1xi32>
    %eq3A_746 = vector.broadcast %broadcast_in_dim3A_745 : vector<2048x1xi32> to vector<2048x128xi32>
    %eq3A_747 = vector.broadcast %iota3A : vector<1x128xi32> to vector<2048x128xi32>
    %eq3A_748 = arith.cmpi eq, %eq3A_746, %eq3A_747 : vector<2048x128xi32>
    %dot_general3A_749 = arith.constant dense<0.000000e+00> : vector<2048x128xf32>
    %dot_general3A_750 = tpu.matmul %get3A_740, %add3A_251, %dot_general3A_749 {dimension_numbers = #tpu.dot_dimension_numbers<[1], [1], [0], [0], [0, 0, 1, 0], [], []>, precision = #tpu.contract_precision<fp32>, transpose_lhs_hint = false} : vector<2048x32xf32>, vector<128x32xf32>, vector<2048x128xf32> -> vector<2048x128xf32>
    %mul3A_751 = vector.broadcast %mul3A_258 : vector<1x128xf32> to vector<2048x128xf32>
    %mul3A_752 = arith.mulf %dot_general3A_750, %mul3A_751 : vector<2048x128xf32>
    %sub3A_753 = vector.broadcast %select_n3A : vector<1x128xf32> to vector<2048x128xf32>
    %sub3A_754 = arith.subf %mul3A_752, %sub3A_753 : vector<2048x128xf32>
    %reduce_max3A_755 = arith.constant dense<0xFF800000> : vector<2048xf32>
    %reduce_max3A_756 = vector.multi_reduction <maximumf>, %sub3A_754, %reduce_max3A_755 [1] : vector<2048x128xf32> to vector<2048xf32>
    %broadcast_in_dim3A_757 = vector.shape_cast %reduce_max3A_756 : vector<2048xf32> to vector<2048x1xf32>
    %sub3A_758 = vector.broadcast %broadcast_in_dim3A_757 : vector<2048x1xf32> to vector<2048x128xf32>
    %sub3A_759 = arith.subf %sub3A_754, %sub3A_758 : vector<2048x128xf32>
    %exp3A_760 = math.exp %sub3A_759 : vector<2048x128xf32>
    %reduce_sum3A_761 = arith.constant dense<0.000000e+00> : vector<2048xf32>
    %reduce_sum3A_762 = vector.multi_reduction <add>, %exp3A_760, %reduce_sum3A_761 [1] : vector<2048x128xf32> to vector<2048xf32>
    %broadcast_in_dim3A_763 = vector.shape_cast %reduce_sum3A_762 : vector<2048xf32> to vector<2048x1xf32>
    %jit3A_764 = arith.constant 0.000000e+00 : f32
    %broadcast_in_dim3A_765 = vector.broadcast %jit3A_764 : f32 to vector<2048x128xf32>
    %select_n3A_766 = arith.select %eq3A_748, %sub3A_754, %broadcast_in_dim3A_765 : vector<2048x128xi1>, vector<2048x128xf32>
    %reduce_sum3A_767 = arith.constant dense<0.000000e+00> : vector<2048xf32>
    %reduce_sum3A_768 = vector.multi_reduction <add>, %select_n3A_766, %reduce_sum3A_767 [1] : vector<2048x128xf32> to vector<2048xf32>
    %broadcast_in_dim3A_769 = vector.shape_cast %reduce_sum3A_768 : vector<2048xf32> to vector<2048x1xf32>
    %sub3A_770 = arith.subf %broadcast_in_dim3A_769, %broadcast_in_dim3A_757 : vector<2048x1xf32>
    %log3A_771 = math.log %broadcast_in_dim3A_763 : vector<2048x1xf32>
    %sub3A_772 = arith.subf %sub3A_770, %log3A_771 : vector<2048x1xf32>
    %jit3A_773 = arith.constant -1.000000e+00 : f32
    %broadcast_in_dim3A_774 = vector.shape_cast %sub3A_267 : vector<1x128xf32> to vector<1x128xf32>
    %broadcast_in_dim3A_775 = vector.broadcast %broadcast_in_dim3A_774 : vector<1x128xf32> to vector<2048x128xf32>
    %broadcast_in_dim3A_776 = vector.broadcast %jit3A_773 : f32 to vector<2048x128xf32>
    %select_n3A_777 = arith.select %eq3A_748, %broadcast_in_dim3A_775, %broadcast_in_dim3A_776 : vector<2048x128xi1>, vector<2048x128xf32>
    %reduce_max3A_778 = arith.constant dense<0xFF800000> : vector<2048xf32>
    %reduce_max3A_779 = vector.multi_reduction <maximumf>, %select_n3A_777, %reduce_max3A_778 [1] : vector<2048x128xf32> to vector<2048xf32>
    %broadcast_in_dim3A_780 = vector.shape_cast %reduce_max3A_779 : vector<2048xf32> to vector<2048x1xf32>
    %ge3A_781 = arith.constant 0.000000e+00 : f32
    %ge3A_782 = vector.broadcast %ge3A_781 : f32 to vector<2048x1xf32>
    %ge3A_783 = arith.cmpf oge, %broadcast_in_dim3A_780, %ge3A_782 : vector<2048x1xf32>
    %eq3A_784 = vector.broadcast %broadcast_in_dim3A_757 : vector<2048x1xf32> to vector<2048x128xf32>
    %eq3A_785 = arith.cmpf oeq, %sub3A_754, %eq3A_784 : vector<2048x128xf32>
    %jit3A_786 = arith.constant -1.000000e+00 : f32
    %broadcast_in_dim3A_787 = vector.shape_cast %sub3A_267 : vector<1x128xf32> to vector<1x128xf32>
    %broadcast_in_dim3A_788 = vector.broadcast %broadcast_in_dim3A_787 : vector<1x128xf32> to vector<2048x128xf32>
    %broadcast_in_dim3A_789 = vector.broadcast %jit3A_786 : f32 to vector<2048x128xf32>
    %select_n3A_790 = arith.select %eq3A_785, %broadcast_in_dim3A_788, %broadcast_in_dim3A_789 : vector<2048x128xi1>, vector<2048x128xf32>
    %reduce_max3A_791 = arith.constant dense<0xFF800000> : vector<2048xf32>
    %reduce_max3A_792 = vector.multi_reduction <maximumf>, %select_n3A_790, %reduce_max3A_791 [1] : vector<2048x128xf32> to vector<2048xf32>
    %broadcast_in_dim3A_793 = vector.shape_cast %reduce_max3A_792 : vector<2048xf32> to vector<2048x1xf32>
    %neg3A_794 = arith.constant 0.000000e+00 : f32
    %neg3A_795 = vector.broadcast %neg3A_794 : f32 to vector<2048x1xf32>
    %neg3A_796 = arith.subf %neg3A_795, %sub3A_772 : vector<2048x1xf32>
    %jit3A_797 = arith.constant 0.000000e+00 : f32
    %broadcast_in_dim3A_798 = vector.broadcast %jit3A_797 : f32 to vector<2048x1xf32>
    %select_n3A_799 = arith.select %ge3A_783, %neg3A_796, %broadcast_in_dim3A_798 : vector<2048x1xi1>, vector<2048x1xf32>
    %reduce_sum3A_800 = vector.shape_cast %select_n3A_799 : vector<2048x1xf32> to vector<1x2048x1xf32>
    %reduce_sum3A_801 = arith.constant dense<0.000000e+00> : vector<1xf32>
    %reduce_sum3A_802 = vector.multi_reduction <add>, %reduce_sum3A_800, %reduce_sum3A_801 [1, 2] : vector<1x2048x1xf32> to vector<1xf32>
    %reduce_sum3A_803 = vector.shape_cast %reduce_sum3A_802 : vector<1xf32> to vector<1x1x1xf32>
    %reduce_sum3A_804 = vector.extract %reduce_sum3A_803[0, 0, 0] : f32 from vector<1x1x1xf32>
    %add3A_805 = arith.addf %add3A_711, %reduce_sum3A_804 : f32
    %jit3A_806 = arith.constant 1.000000e+00 : f32
    %jit3A_807 = arith.constant 0.000000e+00 : f32
    %broadcast_in_dim3A_808 = vector.broadcast %jit3A_806 : f32 to vector<2048x1xf32>
    %broadcast_in_dim3A_809 = vector.broadcast %jit3A_807 : f32 to vector<2048x1xf32>
    %select_n3A_810 = arith.select %ge3A_783, %broadcast_in_dim3A_808, %broadcast_in_dim3A_809 : vector<2048x1xi1>, vector<2048x1xf32>
    %reduce_sum3A_811 = vector.shape_cast %select_n3A_810 : vector<2048x1xf32> to vector<1x2048x1xf32>
    %reduce_sum3A_812 = arith.constant dense<0.000000e+00> : vector<1xf32>
    %reduce_sum3A_813 = vector.multi_reduction <add>, %reduce_sum3A_811, %reduce_sum3A_812 [1, 2] : vector<1x2048x1xf32> to vector<1xf32>
    %reduce_sum3A_814 = vector.shape_cast %reduce_sum3A_813 : vector<1xf32> to vector<1x1x1xf32>
    %reduce_sum3A_815 = vector.extract %reduce_sum3A_814[0, 0, 0] : f32 from vector<1x1x1xf32>
    %add3A_816 = arith.addf %add3A_722, %reduce_sum3A_815 : f32
    %eq3A_817 = arith.cmpf oeq, %broadcast_in_dim3A_793, %broadcast_in_dim3A_780 : vector<2048x1xf32>
    %and3A_818 = arith.andi %eq3A_817, %ge3A_783 : vector<2048x1xi1>
    %jit3A_819 = arith.constant 1.000000e+00 : f32
    %jit3A_820 = arith.constant 0.000000e+00 : f32
    %broadcast_in_dim3A_821 = vector.broadcast %jit3A_819 : f32 to vector<2048x1xf32>
    %broadcast_in_dim3A_822 = vector.broadcast %jit3A_820 : f32 to vector<2048x1xf32>
    %select_n3A_823 = arith.select %and3A_818, %broadcast_in_dim3A_821, %broadcast_in_dim3A_822 : vector<2048x1xi1>, vector<2048x1xf32>
    %reduce_sum3A_824 = vector.shape_cast %select_n3A_823 : vector<2048x1xf32> to vector<1x2048x1xf32>
    %reduce_sum3A_825 = arith.constant dense<0.000000e+00> : vector<1xf32>
    %reduce_sum3A_826 = vector.multi_reduction <add>, %reduce_sum3A_824, %reduce_sum3A_825 [1, 2] : vector<1x2048x1xf32> to vector<1xf32>
    %reduce_sum3A_827 = vector.shape_cast %reduce_sum3A_826 : vector<1xf32> to vector<1x1x1xf32>
    %reduce_sum3A_828 = vector.extract %reduce_sum3A_827[0, 0, 0] : f32 from vector<1x1x1xf32>
    %add3A_829 = arith.addf %add3A_735, %reduce_sum3A_828 : f32
    %get3A_830 = arith.constant 6 : index
    %get3A_831 = arith.constant 0 : index
    %get3A_832 = arith.constant 0 : index
    %get3A_833 = vector.load %arg0[%get3A_830, %get3A_831, %get3A_832] : memref<8x2048x32xf32, #tpu.memory_space<vmem>>, vector<1x2048x32xf32>
    %get3A_834 = vector.shape_cast %get3A_833 : vector<1x2048x32xf32> to vector<2048x32xf32>
    %get3A_835 = arith.constant 6 : index
    %get3A_836 = arith.constant 0 : index
    %get3A_837 = vector.load %arg2[%get3A_835, %get3A_836] : memref<8x2048xi32, #tpu.memory_space<vmem>>, vector<1x2048xi32>
    %get3A_838 = vector.shape_cast %get3A_837 : vector<1x2048xi32> to vector<2048xi32>
    %broadcast_in_dim3A_839 = vector.shape_cast %get3A_838 : vector<2048xi32> to vector<2048x1xi32>
    %eq3A_840 = vector.broadcast %broadcast_in_dim3A_839 : vector<2048x1xi32> to vector<2048x128xi32>
    %eq3A_841 = vector.broadcast %iota3A : vector<1x128xi32> to vector<2048x128xi32>
    %eq3A_842 = arith.cmpi eq, %eq3A_840, %eq3A_841 : vector<2048x128xi32>
    %dot_general3A_843 = arith.constant dense<0.000000e+00> : vector<2048x128xf32>
    %dot_general3A_844 = tpu.matmul %get3A_834, %add3A_251, %dot_general3A_843 {dimension_numbers = #tpu.dot_dimension_numbers<[1], [1], [0], [0], [0, 0, 1, 0], [], []>, precision = #tpu.contract_precision<fp32>, transpose_lhs_hint = false} : vector<2048x32xf32>, vector<128x32xf32>, vector<2048x128xf32> -> vector<2048x128xf32>
    %mul3A_845 = vector.broadcast %mul3A_258 : vector<1x128xf32> to vector<2048x128xf32>
    %mul3A_846 = arith.mulf %dot_general3A_844, %mul3A_845 : vector<2048x128xf32>
    %sub3A_847 = vector.broadcast %select_n3A : vector<1x128xf32> to vector<2048x128xf32>
    %sub3A_848 = arith.subf %mul3A_846, %sub3A_847 : vector<2048x128xf32>
    %reduce_max3A_849 = arith.constant dense<0xFF800000> : vector<2048xf32>
    %reduce_max3A_850 = vector.multi_reduction <maximumf>, %sub3A_848, %reduce_max3A_849 [1] : vector<2048x128xf32> to vector<2048xf32>
    %broadcast_in_dim3A_851 = vector.shape_cast %reduce_max3A_850 : vector<2048xf32> to vector<2048x1xf32>
    %sub3A_852 = vector.broadcast %broadcast_in_dim3A_851 : vector<2048x1xf32> to vector<2048x128xf32>
    %sub3A_853 = arith.subf %sub3A_848, %sub3A_852 : vector<2048x128xf32>
    %exp3A_854 = math.exp %sub3A_853 : vector<2048x128xf32>
    %reduce_sum3A_855 = arith.constant dense<0.000000e+00> : vector<2048xf32>
    %reduce_sum3A_856 = vector.multi_reduction <add>, %exp3A_854, %reduce_sum3A_855 [1] : vector<2048x128xf32> to vector<2048xf32>
    %broadcast_in_dim3A_857 = vector.shape_cast %reduce_sum3A_856 : vector<2048xf32> to vector<2048x1xf32>
    %jit3A_858 = arith.constant 0.000000e+00 : f32
    %broadcast_in_dim3A_859 = vector.broadcast %jit3A_858 : f32 to vector<2048x128xf32>
    %select_n3A_860 = arith.select %eq3A_842, %sub3A_848, %broadcast_in_dim3A_859 : vector<2048x128xi1>, vector<2048x128xf32>
    %reduce_sum3A_861 = arith.constant dense<0.000000e+00> : vector<2048xf32>
    %reduce_sum3A_862 = vector.multi_reduction <add>, %select_n3A_860, %reduce_sum3A_861 [1] : vector<2048x128xf32> to vector<2048xf32>
    %broadcast_in_dim3A_863 = vector.shape_cast %reduce_sum3A_862 : vector<2048xf32> to vector<2048x1xf32>
    %sub3A_864 = arith.subf %broadcast_in_dim3A_863, %broadcast_in_dim3A_851 : vector<2048x1xf32>
    %log3A_865 = math.log %broadcast_in_dim3A_857 : vector<2048x1xf32>
    %sub3A_866 = arith.subf %sub3A_864, %log3A_865 : vector<2048x1xf32>
    %jit3A_867 = arith.constant -1.000000e+00 : f32
    %broadcast_in_dim3A_868 = vector.shape_cast %sub3A_267 : vector<1x128xf32> to vector<1x128xf32>
    %broadcast_in_dim3A_869 = vector.broadcast %broadcast_in_dim3A_868 : vector<1x128xf32> to vector<2048x128xf32>
    %broadcast_in_dim3A_870 = vector.broadcast %jit3A_867 : f32 to vector<2048x128xf32>
    %select_n3A_871 = arith.select %eq3A_842, %broadcast_in_dim3A_869, %broadcast_in_dim3A_870 : vector<2048x128xi1>, vector<2048x128xf32>
    %reduce_max3A_872 = arith.constant dense<0xFF800000> : vector<2048xf32>
    %reduce_max3A_873 = vector.multi_reduction <maximumf>, %select_n3A_871, %reduce_max3A_872 [1] : vector<2048x128xf32> to vector<2048xf32>
    %broadcast_in_dim3A_874 = vector.shape_cast %reduce_max3A_873 : vector<2048xf32> to vector<2048x1xf32>
    %ge3A_875 = arith.constant 0.000000e+00 : f32
    %ge3A_876 = vector.broadcast %ge3A_875 : f32 to vector<2048x1xf32>
    %ge3A_877 = arith.cmpf oge, %broadcast_in_dim3A_874, %ge3A_876 : vector<2048x1xf32>
    %eq3A_878 = vector.broadcast %broadcast_in_dim3A_851 : vector<2048x1xf32> to vector<2048x128xf32>
    %eq3A_879 = arith.cmpf oeq, %sub3A_848, %eq3A_878 : vector<2048x128xf32>
    %jit3A_880 = arith.constant -1.000000e+00 : f32
    %broadcast_in_dim3A_881 = vector.shape_cast %sub3A_267 : vector<1x128xf32> to vector<1x128xf32>
    %broadcast_in_dim3A_882 = vector.broadcast %broadcast_in_dim3A_881 : vector<1x128xf32> to vector<2048x128xf32>
    %broadcast_in_dim3A_883 = vector.broadcast %jit3A_880 : f32 to vector<2048x128xf32>
    %select_n3A_884 = arith.select %eq3A_879, %broadcast_in_dim3A_882, %broadcast_in_dim3A_883 : vector<2048x128xi1>, vector<2048x128xf32>
    %reduce_max3A_885 = arith.constant dense<0xFF800000> : vector<2048xf32>
    %reduce_max3A_886 = vector.multi_reduction <maximumf>, %select_n3A_884, %reduce_max3A_885 [1] : vector<2048x128xf32> to vector<2048xf32>
    %broadcast_in_dim3A_887 = vector.shape_cast %reduce_max3A_886 : vector<2048xf32> to vector<2048x1xf32>
    %neg3A_888 = arith.constant 0.000000e+00 : f32
    %neg3A_889 = vector.broadcast %neg3A_888 : f32 to vector<2048x1xf32>
    %neg3A_890 = arith.subf %neg3A_889, %sub3A_866 : vector<2048x1xf32>
    %jit3A_891 = arith.constant 0.000000e+00 : f32
    %broadcast_in_dim3A_892 = vector.broadcast %jit3A_891 : f32 to vector<2048x1xf32>
    %select_n3A_893 = arith.select %ge3A_877, %neg3A_890, %broadcast_in_dim3A_892 : vector<2048x1xi1>, vector<2048x1xf32>
    %reduce_sum3A_894 = vector.shape_cast %select_n3A_893 : vector<2048x1xf32> to vector<1x2048x1xf32>
    %reduce_sum3A_895 = arith.constant dense<0.000000e+00> : vector<1xf32>
    %reduce_sum3A_896 = vector.multi_reduction <add>, %reduce_sum3A_894, %reduce_sum3A_895 [1, 2] : vector<1x2048x1xf32> to vector<1xf32>
    %reduce_sum3A_897 = vector.shape_cast %reduce_sum3A_896 : vector<1xf32> to vector<1x1x1xf32>
    %reduce_sum3A_898 = vector.extract %reduce_sum3A_897[0, 0, 0] : f32 from vector<1x1x1xf32>
    %add3A_899 = arith.addf %add3A_805, %reduce_sum3A_898 : f32
    %jit3A_900 = arith.constant 1.000000e+00 : f32
    %jit3A_901 = arith.constant 0.000000e+00 : f32
    %broadcast_in_dim3A_902 = vector.broadcast %jit3A_900 : f32 to vector<2048x1xf32>
    %broadcast_in_dim3A_903 = vector.broadcast %jit3A_901 : f32 to vector<2048x1xf32>
    %select_n3A_904 = arith.select %ge3A_877, %broadcast_in_dim3A_902, %broadcast_in_dim3A_903 : vector<2048x1xi1>, vector<2048x1xf32>
    %reduce_sum3A_905 = vector.shape_cast %select_n3A_904 : vector<2048x1xf32> to vector<1x2048x1xf32>
    %reduce_sum3A_906 = arith.constant dense<0.000000e+00> : vector<1xf32>
    %reduce_sum3A_907 = vector.multi_reduction <add>, %reduce_sum3A_905, %reduce_sum3A_906 [1, 2] : vector<1x2048x1xf32> to vector<1xf32>
    %reduce_sum3A_908 = vector.shape_cast %reduce_sum3A_907 : vector<1xf32> to vector<1x1x1xf32>
    %reduce_sum3A_909 = vector.extract %reduce_sum3A_908[0, 0, 0] : f32 from vector<1x1x1xf32>
    %add3A_910 = arith.addf %add3A_816, %reduce_sum3A_909 : f32
    %eq3A_911 = arith.cmpf oeq, %broadcast_in_dim3A_887, %broadcast_in_dim3A_874 : vector<2048x1xf32>
    %and3A_912 = arith.andi %eq3A_911, %ge3A_877 : vector<2048x1xi1>
    %jit3A_913 = arith.constant 1.000000e+00 : f32
    %jit3A_914 = arith.constant 0.000000e+00 : f32
    %broadcast_in_dim3A_915 = vector.broadcast %jit3A_913 : f32 to vector<2048x1xf32>
    %broadcast_in_dim3A_916 = vector.broadcast %jit3A_914 : f32 to vector<2048x1xf32>
    %select_n3A_917 = arith.select %and3A_912, %broadcast_in_dim3A_915, %broadcast_in_dim3A_916 : vector<2048x1xi1>, vector<2048x1xf32>
    %reduce_sum3A_918 = vector.shape_cast %select_n3A_917 : vector<2048x1xf32> to vector<1x2048x1xf32>
    %reduce_sum3A_919 = arith.constant dense<0.000000e+00> : vector<1xf32>
    %reduce_sum3A_920 = vector.multi_reduction <add>, %reduce_sum3A_918, %reduce_sum3A_919 [1, 2] : vector<1x2048x1xf32> to vector<1xf32>
    %reduce_sum3A_921 = vector.shape_cast %reduce_sum3A_920 : vector<1xf32> to vector<1x1x1xf32>
    %reduce_sum3A_922 = vector.extract %reduce_sum3A_921[0, 0, 0] : f32 from vector<1x1x1xf32>
    %add3A_923 = arith.addf %add3A_829, %reduce_sum3A_922 : f32
    %get3A_924 = arith.constant 7 : index
    %get3A_925 = arith.constant 0 : index
    %get3A_926 = arith.constant 0 : index
    %get3A_927 = vector.load %arg0[%get3A_924, %get3A_925, %get3A_926] : memref<8x2048x32xf32, #tpu.memory_space<vmem>>, vector<1x2048x32xf32>
    %get3A_928 = vector.shape_cast %get3A_927 : vector<1x2048x32xf32> to vector<2048x32xf32>
    %get3A_929 = arith.constant 7 : index
    %get3A_930 = arith.constant 0 : index
    %get3A_931 = vector.load %arg2[%get3A_929, %get3A_930] : memref<8x2048xi32, #tpu.memory_space<vmem>>, vector<1x2048xi32>
    %get3A_932 = vector.shape_cast %get3A_931 : vector<1x2048xi32> to vector<2048xi32>
    %broadcast_in_dim3A_933 = vector.shape_cast %get3A_932 : vector<2048xi32> to vector<2048x1xi32>
    %eq3A_934 = vector.broadcast %broadcast_in_dim3A_933 : vector<2048x1xi32> to vector<2048x128xi32>
    %eq3A_935 = vector.broadcast %iota3A : vector<1x128xi32> to vector<2048x128xi32>
    %eq3A_936 = arith.cmpi eq, %eq3A_934, %eq3A_935 : vector<2048x128xi32>
    %dot_general3A_937 = arith.constant dense<0.000000e+00> : vector<2048x128xf32>
    %dot_general3A_938 = tpu.matmul %get3A_928, %add3A_251, %dot_general3A_937 {dimension_numbers = #tpu.dot_dimension_numbers<[1], [1], [0], [0], [0, 0, 1, 0], [], []>, precision = #tpu.contract_precision<fp32>, transpose_lhs_hint = false} : vector<2048x32xf32>, vector<128x32xf32>, vector<2048x128xf32> -> vector<2048x128xf32>
    %mul3A_939 = vector.broadcast %mul3A_258 : vector<1x128xf32> to vector<2048x128xf32>
    %mul3A_940 = arith.mulf %dot_general3A_938, %mul3A_939 : vector<2048x128xf32>
    %sub3A_941 = vector.broadcast %select_n3A : vector<1x128xf32> to vector<2048x128xf32>
    %sub3A_942 = arith.subf %mul3A_940, %sub3A_941 : vector<2048x128xf32>
    %reduce_max3A_943 = arith.constant dense<0xFF800000> : vector<2048xf32>
    %reduce_max3A_944 = vector.multi_reduction <maximumf>, %sub3A_942, %reduce_max3A_943 [1] : vector<2048x128xf32> to vector<2048xf32>
    %broadcast_in_dim3A_945 = vector.shape_cast %reduce_max3A_944 : vector<2048xf32> to vector<2048x1xf32>
    %sub3A_946 = vector.broadcast %broadcast_in_dim3A_945 : vector<2048x1xf32> to vector<2048x128xf32>
    %sub3A_947 = arith.subf %sub3A_942, %sub3A_946 : vector<2048x128xf32>
    %exp3A_948 = math.exp %sub3A_947 : vector<2048x128xf32>
    %reduce_sum3A_949 = arith.constant dense<0.000000e+00> : vector<2048xf32>
    %reduce_sum3A_950 = vector.multi_reduction <add>, %exp3A_948, %reduce_sum3A_949 [1] : vector<2048x128xf32> to vector<2048xf32>
    %broadcast_in_dim3A_951 = vector.shape_cast %reduce_sum3A_950 : vector<2048xf32> to vector<2048x1xf32>
    %jit3A_952 = arith.constant 0.000000e+00 : f32
    %broadcast_in_dim3A_953 = vector.broadcast %jit3A_952 : f32 to vector<2048x128xf32>
    %select_n3A_954 = arith.select %eq3A_936, %sub3A_942, %broadcast_in_dim3A_953 : vector<2048x128xi1>, vector<2048x128xf32>
    %reduce_sum3A_955 = arith.constant dense<0.000000e+00> : vector<2048xf32>
    %reduce_sum3A_956 = vector.multi_reduction <add>, %select_n3A_954, %reduce_sum3A_955 [1] : vector<2048x128xf32> to vector<2048xf32>
    %broadcast_in_dim3A_957 = vector.shape_cast %reduce_sum3A_956 : vector<2048xf32> to vector<2048x1xf32>
    %sub3A_958 = arith.subf %broadcast_in_dim3A_957, %broadcast_in_dim3A_945 : vector<2048x1xf32>
    %log3A_959 = math.log %broadcast_in_dim3A_951 : vector<2048x1xf32>
    %sub3A_960 = arith.subf %sub3A_958, %log3A_959 : vector<2048x1xf32>
    %jit3A_961 = arith.constant -1.000000e+00 : f32
    %broadcast_in_dim3A_962 = vector.shape_cast %sub3A_267 : vector<1x128xf32> to vector<1x128xf32>
    %broadcast_in_dim3A_963 = vector.broadcast %broadcast_in_dim3A_962 : vector<1x128xf32> to vector<2048x128xf32>
    %broadcast_in_dim3A_964 = vector.broadcast %jit3A_961 : f32 to vector<2048x128xf32>
    %select_n3A_965 = arith.select %eq3A_936, %broadcast_in_dim3A_963, %broadcast_in_dim3A_964 : vector<2048x128xi1>, vector<2048x128xf32>
    %reduce_max3A_966 = arith.constant dense<0xFF800000> : vector<2048xf32>
    %reduce_max3A_967 = vector.multi_reduction <maximumf>, %select_n3A_965, %reduce_max3A_966 [1] : vector<2048x128xf32> to vector<2048xf32>
    %broadcast_in_dim3A_968 = vector.shape_cast %reduce_max3A_967 : vector<2048xf32> to vector<2048x1xf32>
    %ge3A_969 = arith.constant 0.000000e+00 : f32
    %ge3A_970 = vector.broadcast %ge3A_969 : f32 to vector<2048x1xf32>
    %ge3A_971 = arith.cmpf oge, %broadcast_in_dim3A_968, %ge3A_970 : vector<2048x1xf32>
    %eq3A_972 = vector.broadcast %broadcast_in_dim3A_945 : vector<2048x1xf32> to vector<2048x128xf32>
    %eq3A_973 = arith.cmpf oeq, %sub3A_942, %eq3A_972 : vector<2048x128xf32>
    %jit3A_974 = arith.constant -1.000000e+00 : f32
    %broadcast_in_dim3A_975 = vector.shape_cast %sub3A_267 : vector<1x128xf32> to vector<1x128xf32>
    %broadcast_in_dim3A_976 = vector.broadcast %broadcast_in_dim3A_975 : vector<1x128xf32> to vector<2048x128xf32>
    %broadcast_in_dim3A_977 = vector.broadcast %jit3A_974 : f32 to vector<2048x128xf32>
    %select_n3A_978 = arith.select %eq3A_973, %broadcast_in_dim3A_976, %broadcast_in_dim3A_977 : vector<2048x128xi1>, vector<2048x128xf32>
    %reduce_max3A_979 = arith.constant dense<0xFF800000> : vector<2048xf32>
    %reduce_max3A_980 = vector.multi_reduction <maximumf>, %select_n3A_978, %reduce_max3A_979 [1] : vector<2048x128xf32> to vector<2048xf32>
    %broadcast_in_dim3A_981 = vector.shape_cast %reduce_max3A_980 : vector<2048xf32> to vector<2048x1xf32>
    %neg3A_982 = arith.constant 0.000000e+00 : f32
    %neg3A_983 = vector.broadcast %neg3A_982 : f32 to vector<2048x1xf32>
    %neg3A_984 = arith.subf %neg3A_983, %sub3A_960 : vector<2048x1xf32>
    %jit3A_985 = arith.constant 0.000000e+00 : f32
    %broadcast_in_dim3A_986 = vector.broadcast %jit3A_985 : f32 to vector<2048x1xf32>
    %select_n3A_987 = arith.select %ge3A_971, %neg3A_984, %broadcast_in_dim3A_986 : vector<2048x1xi1>, vector<2048x1xf32>
    %reduce_sum3A_988 = vector.shape_cast %select_n3A_987 : vector<2048x1xf32> to vector<1x2048x1xf32>
    %reduce_sum3A_989 = arith.constant dense<0.000000e+00> : vector<1xf32>
    %reduce_sum3A_990 = vector.multi_reduction <add>, %reduce_sum3A_988, %reduce_sum3A_989 [1, 2] : vector<1x2048x1xf32> to vector<1xf32>
    %reduce_sum3A_991 = vector.shape_cast %reduce_sum3A_990 : vector<1xf32> to vector<1x1x1xf32>
    %reduce_sum3A_992 = vector.extract %reduce_sum3A_991[0, 0, 0] : f32 from vector<1x1x1xf32>
    %add3A_993 = arith.addf %add3A_899, %reduce_sum3A_992 : f32
    %jit3A_994 = arith.constant 1.000000e+00 : f32
    %jit3A_995 = arith.constant 0.000000e+00 : f32
    %broadcast_in_dim3A_996 = vector.broadcast %jit3A_994 : f32 to vector<2048x1xf32>
    %broadcast_in_dim3A_997 = vector.broadcast %jit3A_995 : f32 to vector<2048x1xf32>
    %select_n3A_998 = arith.select %ge3A_971, %broadcast_in_dim3A_996, %broadcast_in_dim3A_997 : vector<2048x1xi1>, vector<2048x1xf32>
    %reduce_sum3A_999 = vector.shape_cast %select_n3A_998 : vector<2048x1xf32> to vector<1x2048x1xf32>
    %reduce_sum3A_1000 = arith.constant dense<0.000000e+00> : vector<1xf32>
    %reduce_sum3A_1001 = vector.multi_reduction <add>, %reduce_sum3A_999, %reduce_sum3A_1000 [1, 2] : vector<1x2048x1xf32> to vector<1xf32>
    %reduce_sum3A_1002 = vector.shape_cast %reduce_sum3A_1001 : vector<1xf32> to vector<1x1x1xf32>
    %reduce_sum3A_1003 = vector.extract %reduce_sum3A_1002[0, 0, 0] : f32 from vector<1x1x1xf32>
    %add3A_1004 = arith.addf %add3A_910, %reduce_sum3A_1003 : f32
    %eq3A_1005 = arith.cmpf oeq, %broadcast_in_dim3A_981, %broadcast_in_dim3A_968 : vector<2048x1xf32>
    %and3A_1006 = arith.andi %eq3A_1005, %ge3A_971 : vector<2048x1xi1>
    %jit3A_1007 = arith.constant 1.000000e+00 : f32
    %jit3A_1008 = arith.constant 0.000000e+00 : f32
    %broadcast_in_dim3A_1009 = vector.broadcast %jit3A_1007 : f32 to vector<2048x1xf32>
    %broadcast_in_dim3A_1010 = vector.broadcast %jit3A_1008 : f32 to vector<2048x1xf32>
    %select_n3A_1011 = arith.select %and3A_1006, %broadcast_in_dim3A_1009, %broadcast_in_dim3A_1010 : vector<2048x1xi1>, vector<2048x1xf32>
    %reduce_sum3A_1012 = vector.shape_cast %select_n3A_1011 : vector<2048x1xf32> to vector<1x2048x1xf32>
    %reduce_sum3A_1013 = arith.constant dense<0.000000e+00> : vector<1xf32>
    %reduce_sum3A_1014 = vector.multi_reduction <add>, %reduce_sum3A_1012, %reduce_sum3A_1013 [1, 2] : vector<1x2048x1xf32> to vector<1xf32>
    %reduce_sum3A_1015 = vector.shape_cast %reduce_sum3A_1014 : vector<1xf32> to vector<1x1x1xf32>
    %reduce_sum3A_1016 = vector.extract %reduce_sum3A_1015[0, 0, 0] : f32 from vector<1x1x1xf32>
    %add3A_1017 = arith.addf %add3A_923, %reduce_sum3A_1016 : f32
    %iota3A_1018 = tpu.iota {dimensions = array<i32: 1>} : vector<1x2xi32>
    %eq3A_1019 = arith.constant 0 : i32
    %eq3A_1020 = vector.broadcast %eq3A_1019 : i32 to vector<1x2xi32>
    %eq3A_1021 = arith.cmpi eq, %iota3A_1018, %eq3A_1020 : vector<1x2xi32>
    %div3A_1022 = arith.divf %add3A_993, %add3A_1004 : f32
    %div3A_1023 = arith.divf %add3A_1017, %add3A_1004 : f32
    %broadcast_in_dim3A_1024 = vector.broadcast %div3A_1022 : f32 to vector<1x2xf32>
    %broadcast_in_dim3A_1025 = vector.broadcast %div3A_1023 : f32 to vector<1x2xf32>
    %select_n3A_1026 = arith.select %eq3A_1021, %broadcast_in_dim3A_1024, %broadcast_in_dim3A_1025 : vector<1x2xi1>, vector<1x2xf32>
    %swap3A = arith.constant 0 : index
    %swap3A_1027 = arith.constant 0 : index
    %swap3A_1028 = vector.load %arg4[%swap3A, %swap3A_1027] : memref<1x2xf32, #tpu.memory_space<vmem>>, vector<1x2xf32>
    tpu.vector_store %arg4[%swap3A, %swap3A_1027], %select_n3A_1026 {strides = array<i32>} : memref<1x2xf32, #tpu.memory_space<vmem>>, vector<1x2xf32>,
    return
  }
}

</mosaic_0001>

<sc_bundles>
// kernel: kernel.4.cloned.1.call-start
scs
__scs_entry_jumppad:
0x0: {  	(pc) =	sbr.rel $0x88, $3  }
0x1: {  	(tag) =	ssettag $0x0;
	lr =	simm.s32 $0x1  }
0x2: {  	[smem:$0x3F9F] =	sst lr;
	_ =	strace $0xD0000000  }
0x3: {  	_ = 	snop  }
0x4: {  	_ = 	snop  }
0x5: {  	_ = 	snop  }
0x6: {  	_ = 	snop  }
0x7: {  	_ = 	snop  }
__scs_overlays_trampoline_lowered:
0x8: {  	[smem:$0x3FAE] =	sst s0  }
0x9: {  	[smem:$0x3FAF] =	sst s1  }
0xa: {  	[smem:$0x3FB0] =	sst s2  }
0xb: {  	[smem:$0x3FB1] =	sst s3  }
0xc: {  	[smem:$0x3FB2] =	sst s4  }
0xd: {  	[smem:$0x3FB3] =	sst s5  }
0xe: {  	[smem:$0x3FB4] =	sst s6  }
0xf: {  	[smem:$0x3FB5] =	sst s7  }
0x10: {  	[smem:$0x3FB6] =	sst s8  }
0x11: {  	[smem:$0x3FB7] =	sst s9;
	s0 =	simm.s32 @!p0 $0x0  }
0x12: {  	s1 =	sld [smem:$0x3F9D];
	s0 =	simm.s32 @p0 $0x1  }
0x13: {  	[smem:$0x3FB8] =	sst s0;
	s0 =	simm.s32 @!p1 $0x0  }
0x14: {  	s2 =	sld [smem:$0x3F9C];
	s0 =	simm.s32 @p1 $0x1  }
0x15: {  	[smem:$0x3FB9] =	sst s0;
	s0 =	simm.s32 @!p2 $0x0  }
0x16: {  	s3 =	sld [smem:$0x3FDB];
	s0 =	simm.s32 @p2 $0x1  }
0x17: {  	s4 =	simm.s32 $0x1BF5;
	[smem:$0x3FBB] =	sst s0  }
0x18: {  	s0 =	sld [smem:$0x3F9E];
	_ =	swait.ge [sflag:s4], $0x0  }
0x19: {  	s7 =	sld [smem:$0x3F9F]  }
0x1a: {  	s8 =	sadd.s32 $0xFFFFE003, lr  }
0x1b: {  	s9 =	sadd.s32 $0xFFFFFEF7, lr;
	s5 =	simm.s32 $0xFFFFFFFF;
	p2 =	slt.u32 s8, $0xFFFFF086  }
0x1c: {  	p1 =	slt.u32 s9, $0xF7A;
	s5 =	simm.s32 @!p2 $0x0  }
0x1d: {  	s5 =	simm.s32 @p1 $0x1;
	p0 =	seq.s32 s7, s2  }
0x1e: {  	s7 =	smul.u32 @!p0 $0xF7A, s2;
	p2 =	seq.s32 @!p0 s5, $0x0  }
0x1f: {  	s9 =	smul.u32 $0xF7A, s1;
	s8 =	simm.s32 @!p0 $0x1BF5;
	p2 =	por !p2, p0  }
0x20: {  	[sflag:s8] =	ssyncset.s32 @!p0 $0xFFFFF086;
	s6 =	sadd.s32 @!p0 s3, s7;
	s7 =	simm.s32 @!p0 $0x108  }
0x21: {  	s3 =	sadd.s32 s3, s9;
	s6 =	sadd.s32 @!p0 $0x88, s6;
	s7 =	simm.s32 @p2 $0x1082  }
0x22: {  	[simem:s7], [sflag:s8] =	dma.local @!p0 [hbm:s6], $0xF7A  }
0x23: {  	s9 =	sor.u32 $0xD0000000, s2;
	s6 =	simm.s32 $0x108;
	_ =	swait.ge @!p0 [sflag:s8], $0x0  }
0x24: {  	s3 =	sadd.s32 $0x88, s3;
	s6 =	simm.s32 @!p1 $0x1082;
	[sflag:s4] =	ssyncset.s32 $0xFFFFF086  }
0x25: {  	[simem:s6], [sflag:s4] =	dma.local [hbm:s3], $0xF7A  }
0x26: {  	[smem:$0x3F9F] =	sst s1;
	(tag) =	ssettag s2;
	_ =	strace s9  }
0x27: {  	s1 =	sld [smem:$0x3FAF]  }
0x28: {  	s2 =	sld [smem:$0x3FB0]  }
0x29: {  	s4 =	sld [smem:$0x3FB2]  }
0x2a: {  	p0 =	seq.s32 s5, $0x0;
	s5 =	sld [smem:$0x3FB3]  }
0x2b: {  	s6 =	sld [smem:$0x3FB4]  }
0x2c: {  	s7 =	sld [smem:$0x3FB5]  }
0x2d: {  	s3 =	simm.s32 $0x108;
	s8 =	sld [smem:$0x3FB6]  }
0x2e: {  	s3 =	simm.s32 @!p0 $0x1082;
	s9 =	sld [smem:$0x3FB7]  }
0x2f: {  	lr =	sadd.s32 s0, s3;
	s0 =	sld [smem:$0x3FAE]  }
0x30: {  	s3 =	sld [smem:$0x3FB1]  }
0x31: {  	[smem:$0x3FBA] =	sst s10  }
0x32: {  	s10 =	sld [smem:$0x3FB8];
	_ =	sdelay $0x3  }
0x33: {  	p0 =	seq.s32 s10, $0x1;
	s10 =	sld [smem:$0x3FBA];
	_ =	sdelay $0x3  }
0x34: {  	[smem:$0x3FBA] =	sst s10  }
0x35: {  	s10 =	sld [smem:$0x3FB9];
	_ =	sdelay $0x3  }
0x36: {  	p1 =	seq.s32 s10, $0x1;
	s10 =	sld [smem:$0x3FBA];
	_ =	sdelay $0x3  }
0x37: {  	[smem:$0x3FBA] =	sst s10  }
0x38: {  	s10 =	sld [smem:$0x3FBB]  }
0x39: {  	_ = 	snop;
	(pc) =	sbr.ind lr, $3  }
0x3a: {  	_ = 	snop  }
0x3b: {  	_ = 	snop  }
0x3c: {  	p2 =	seq.s32 s10, $0x1;
	s10 =	sld [smem:$0x3FBA]  }
0x3d: {  	_ =	shalt  }
0x3e: {  	_ =	shalt  }
0x3f: {  	_ =	shalt  }
0x40: {  	_ =	shalt  }
0x41: {  	_ =	shalt  }
0x42: {  	_ =	shalt  }
0x43: {  	_ =	shalt  }
0x44: {  	_ =	shalt  }
0x45: {  	_ =	shalt  }
0x46: {  	_ =	shalt  }
0x47: {  	_ =	shalt  }
0x48: {  	_ =	shalt  }
0x49: {  	_ =	shalt  }
0x4a: {  	_ =	shalt  }
0x4b: {  	_ =	shalt  }
0x4c: {  	_ =	shalt  }
0x4d: {  	_ =	shalt  }
0x4e: {  	_ =	shalt  }
0x4f: {  	_ =	shalt  }
0x50: {  	_ =	shalt  }
0x51: {  	_ =	shalt  }
0x52: {  	_ =	shalt  }
0x53: {  	_ =	shalt  }
0x54: {  	_ =	shalt  }
0x55: {  	_ =	shalt  }
0x56: {  	_ =	shalt  }
0x57: {  	_ =	shalt  }
0x58: {  	_ =	shalt  }
0x59: {  	_ =	shalt  }
0x5a: {  	_ =	shalt  }
0x5b: {  	_ =	shalt  }
0x5c: {  	_ =	shalt  }
0x5d: {  	_ =	shalt  }
0x5e: {  	_ =	shalt  }
0x5f: {  	_ =	shalt  }
0x60: {  	_ =	shalt  }
0x61: {  	_ =	shalt  }
0x62: {  	_ =	shalt  }
0x63: {  	_ =	shalt  }
0x64: {  	_ =	shalt  }
0x65: {  	_ =	shalt  }
0x66: {  	_ =	shalt  }
0x67: {  	_ =	shalt  }
0x68: {  	_ =	shalt  }
0x69: {  	_ =	shalt  }
0x6a: {  	_ =	shalt  }
0x6b: {  	_ =	shalt  }
0x6c: {  	_ =	shalt  }
0x6d: {  	_ =	shalt  }
0x6e: {  	_ =	shalt  }
0x6f: {  	_ =	shalt  }
0x70: {  	_ =	shalt  }
0x71: {  	_ =	shalt  }
0x72: {  	_ =	shalt  }
0x73: {  	_ =	shalt  }
0x74: {  	_ =	shalt  }
0x75: {  	_ =	shalt  }
0x76: {  	_ =	shalt  }
0x77: {  	_ =	shalt  }
0x78: {  	_ =	shalt  }
0x79: {  	_ =	shalt  }
0x7a: {  	_ =	shalt  }
0x7b: {  	_ =	shalt  }
0x7c: {  	_ =	shalt  }
0x7d: {  	_ =	shalt  }
0x7e: {  	_ =	shalt  }
0x7f: {  	_ =	shalt  }
0x80: {  	_ =	shalt  }
0x81: {  	_ =	shalt  }
0x82: {  	_ =	shalt  }
0x83: {  	_ =	shalt  }
0x84: {  	_ =	shalt  }
0x85: {  	_ =	shalt  }
0x86: {  	_ =	shalt  }
0x87: {  	_ =	shalt  }
.Lfunc_end0:
.L_simem_size_0:
called_computation_lowered:
.L_overlay_start_0:
0x88: {  	s2 =	sld [smem:$0x3FD9]  }
0x89: {  	s3 =	sld [smem:$0x3FFE];
	_ =	sdelay $0x1  }
0x8a: {  	s1 =	srdreg.scid  }
0x8b: {  	s0 =	sand.u32 $0x1, s1  }
0x8c: {  	s14 =	sshll.u32 s0, $0xA;
	s2 =	sadd.s32 s3, s2  }
0x8d: {  	s2 =	sadd.s32 s2, s14  }
0x8e: {  	[smem:$0x3FC6] =	sst s2  }
0x8f: {  	_ = 	snop  }
0x90: {  	s2 =	sld [smem:$0x3FD0];
	_ =	sdelay $0x2  }
0x91: {  	s4 =	simm.s32 $0xA;
	s5 =	simm.s32 $0x10;
	s15 =	sld [smem:$0x3FC8]  }
0x92: {  	[smem:s5], [sflag:s4] =	dma.local [hbm:s2], $0x1  }
0x93: {  	_ =	swait.eq [sflag:s4], $0x1  }
0x94: {  	[sflag:s4] =	ssyncset.done $0x0  }
0x95: {  	[sflag:s4] =	ssyncadd.s32 $0xFFFFFFFF  }
0x96: {  	s16 =	sld [smem:$0x10];
	(tm) =	ssettm $0x1  }
0x97: {  	s17 =	sld [smem:$0x3FFB];
	_ =	sdelay $0x3  }
0x98: {  	_ =	strace s17  }
0x99: {  	s4 =	sld [smem:$0x3FFC];
	_ =	sdelay $0x3  }
0x9a: {  	_ =	strace s4  }
0x9b: {  	s4 =	sld [smem:$0x3FFD];
	_ =	sdelay $0x3  }
0x9c: {  	_ =	strace s4  }
0x9d: {  	_ =	strace $0x8FFFFFFF  }
0x9e: {  	s18 =	sld [smem:$0x3FDB];
	_ =	sdelay $0x1  }
0x9f: {  	s19 =	simm.s32 $_scs_section_size  }
0xa0: {  	s6 =	simm.s32 $_size__tile_overlayer_lowered;
	s7 =	simm.s32 $_tile_overlayer_lowered  }
0xa1: {  	s22 =	simm.s32 $0x1BFF;
	s21 =	sshll.u32 s7, $0x1;
	s4 =	sadd.s32 s19, s18  }
0xa2: {  	s8 =	simm.s32 $0x0;
	s20 =	sshll.u32 s6, $0x1;
	s6 =	sadd.s32 s21, s4  }
0xa3: {  	[timem:s8], [sflag:s22] =	dma.local [hbm:s6], s20  }
0xa4: {  	_ =	swait.ge [sflag:s22], s20  }
0xa5: {  	s5 =	ssub.s32 $0x0, s20;
	[sflag:s22] =	ssyncset.done $0x0  }
0xa6: {  	[sflag:s22] =	ssyncadd.s32 s5;
	_ =	sdelay $0x1  }
0xa7: {  	s23 =	simm.s32 $0x1B8B  }
0xa8: {  	_ =	swait.ge [sflag:s23], $0x1  }
0xa9: {  	[sflag:s23] =	ssyncset.done $0x0  }
0xaa: {  	s25 =	simm.s32 $0x1B8E;
	s24 =	sld [smem:$0x3FFE];
	[sflag:s23] =	ssyncadd.s32 $0xFFFFFFFF  }
0xab: {  	s26 =	simm.s32 $execute0_lowered;
	[smem:$0x3FD2] =	sst s25  }
0xac: {  	s6 =	sshll.u32 s26, $0x1;
	_ =	strace $0x80000046;
	[dreg:$0x1] =	wrdreg $0xFFFFFFFF  }
0xad: {  	s28 =	simm.s32 $_size_execute0_lowered;
	s4 =	sadd.s32 s4, s6;
	[dreg:$0x0] =	wrdreg $0x0  }
0xae: {  	s6 =	sshll.u32 s28, $0x1;
	[dreg:$0x2] =	wrdreg s4  }
0xaf: {  	[dreg:$0x3] =	wrdreg s6  }
0xb0: {  	[dreg:$0x4] =	wrdreg $0xC0  }
0xb1: {  	_ =	task [dreg:s8], $0x5FFFF  }
0xb2: {  	[dreg:$0x1] =	wrdreg $0xFFFFFFFF  }
0xb3: {  	[dreg:$0x0] =	wrdreg $0x60  }
0xb4: {  	[dreg:$0x2] =	wrdreg s15  }
0xb5: {  	[dreg:$0x3] =	wrdreg s24  }
0xb6: {  	[dreg:$0x4] =	wrdreg s16  }
0xb7: {  	[dreg:$0x5] =	wrdreg $0x10800  }
0xb8: {  	[dreg:$0x6] =	wrdreg $0x9  }
0xb9: {  	_ =	task.clear_ibuf [dreg:s8], $0x7FFFF;
	_ =	strace $0x90000046  }
0xba: {  	s29 =	simm.s32 $0x9;
	_ =	strace $0x80000048  }
0xbb: {  	_ =	swait.ge [sflag:s29], $0x1  }
0xbc: {  	[sflag:s29] =	ssyncadd.s32 $0xFFFFFFFF  }
0xbd: {  	_ =	strace $0x90000048  }
0xbe: {  	_ =	sfence  }
0xbf: {  	s30 =	sld [smem:$0x0];
	_ =	sdelay $0x2  }
0xc0: {  	s31 =	sshll.u32 s1, $0xD;
	s1 =	sshrl.u32 s1, $0x2  }
0xc1: {  	s3 =	sand.u32 $0x4000, s31;
	s1 =	sadd.s32 s1, s30  }
0xc2: {  	s0 =	sor.u32 s3, s0;
	s1 =	sshll.u32 s1, $0x11  }
0xc3: {  	s0 =	sor.u32 s1, s0  }
0xc4: {  	s0 =	sadd.s32 $0x8F2B, s0  }
0xc5: {  	[sflag:s0] =	ssyncadd.remote.s32 $0x1  }
0xc6: {  	_ =	sfence.sel $0xFFFF  }
0xc7: {  	[dreg:$0x0] =	wrdreg $0xFFFFFFFF;
	(pc) =	sbr.abs _section_cstart, $3  }
0xc8: {  	[dreg:$0x1] =	wrdreg $0xFFFFFFFF  }
0xc9: {  	_ =	task.clear_ibuf [dreg:s8], $0x2FFFF;
	_ =	strace $0x9FFFFFFF  }
0xca: {  	(tm) =	ssettm $0x7FFFFFFF  }
0xcb: {  	_ =	shalt  }
tec
execute0_lowered:
.L_overlay_start_1:
0x0: {  	(tag) =	ssettag $0x1  }
0x1: {  	s5 =	rddreg [dreg:$0x0]  }
0x2: {  	s6 =	rddreg [dreg:$0x1]  }
0x3: {  	s0 =	rddreg [dreg:$0x2]  }
0x4: {  	s2 =	rddreg [dreg:$0x3];
	s3 =	simm.s32 $0x0  }
0x5: {  	s1 =	srdreg.scid;
	s4 =	stileid.u32;
	v2 =	vimm.s32 $0xFFEDCBA9;
	s11 =	simm.s32 $0x800  }
0x6: {  	v3 =	vimm.s32 $0x87654321;
	s12 =	simm.s32 $0x1200;
	s13 =	simm.s32 $0x1280;
	s14 =	simm.s32 $0x1300  }
0x7: {  	v1 =	vimm.s32 $0xEDCBA987;
	s16 =	simm.s32 $0x1180;
	[smem:$0x7FF] =	sst s3;
	s17 =	sand.u32 $0x1, s1;
	v2 =	vunpack.c.l.s4.s8 v2;
	v3 =	vunpack.c.l.s4.s8 v3  }
0x8: {  	v0 =	vimm.s32 $0x65432100;
	s1 =	rddreg [dreg:$0x4];
	s8 =	sshll.u32 s4, $0x7;
	v1 =	vunpack.c.l.s4.s8 v1;
	s7 =	ssub.s32 $0x2, s17  }
0x9: {  	v4 =	vunpack.c.l.s4.s8 v0;
	_ =	strace $0x80000047;
	s10 =	sadd.s32 s8, s6;
	s5 =	sadd.s32 s5, s8;
	v2 =	vunpack.c.0.s8.s32 v2;
	v3 =	vunpack.c.0.s8.s32 v3  }
0xa: {  	vm0 =	vmmov $0x1;
	vm1 =	vcmask $0x3F3C;
	s6 =	sadd.s32 s8, s2;
	s15 =	sor.u32 s4, s17;
	p1 =	sne.s32 s17, $0x0;
	v5 =	vunpack.c.0.s8.s32 v1  }
0xb: {  	s17 =	simm.s32 $0x0;
	s9 =	sshrl.u32 s7, $0x1;
	s8 =	sadd.s32 $0x1400, s10;
	v4 =	vunpack.c.0.s8.s32 v4;
	v1 =	vlaneseq.u32;
	v6 =	vcombine.low v3, v2  }
0xc: {  	v0 =	vimm.s32 $0x0;
	p0 =	sne.s32 s15, $0x0;
	s15 =	simm.s32 $0x1100;
	s9 =	ssub.s32 s7, s9;
	v5 =	vand.u32 $0xF, v5;
	v3 =	vor.u32 $0x80000000, v1  }
0xd: {  	s7 =	sadd.s32 $0xC00, s10;
	s10 =	simm.s32 $0x1;
	s9 =	smax.u32 s9, $0x1;
	v2 =	vcombine.low v4, v5;
	v5 =	vadd.s32 $0x1, v1;
	v4 =	vand.u32 $0xF, v6  }
.LBB2_1:
0xe: {  	[tilespmem:s3], [sflag:$0x1] =	stream.linear.gather [hbm4b:s5+s3], $0x400, $0x38;
	[tilespmem:$0x1B80] =	vst v63  }
0xf: {  	_ =	swait.ge [sflag:s10], $0x400  }
0x10: {  	[sflag:s10] =	ssyncset.done $0x0  }
0x11: {  	[sflag:s10] =	ssyncadd.s32 $0xFFFFFC00  }
0x12: {  	[tilespmem:$0x800] =	vst v0  }
0x13: {  	[tilespmem:$0x810] =	vst v0  }
0x14: {  	[tilespmem:$0x820] =	vst v0  }
0x15: {  	[tilespmem:$0x830] =	vst v0  }
0x16: {  	[tilespmem:$0x840] =	vst v0  }
0x17: {  	[tilespmem:$0x850] =	vst v0  }
0x18: {  	[tilespmem:$0x860] =	vst v0  }
0x19: {  	s18 =	simm.s32 $0x0;
	[tilespmem:$0x870] =	vst v0  }
0x1a: {  	v6 =	vld [tilespmem:s18+$0x0];
	_ =	sdelay $0x4  }
0x1b: {  	v7 =	vxor.u32 $0x80000000, v6  }
0x1c: {  	(xrf1) =	vsort.ascd.msk.u32 $0xffff, v7, v1;
	_ =	sdelay $0xd  }
0x1d: {  	v7, v8, _ =	vpop (xrf1)  }
0x1e: {  	v9 =	vld.idx.msk [tilespmem:v6+s11+$0x0], $0xffff;
	v6 =	vxor.u32 $0x80000000, v7  }
0x1f: {  	[tilespmem:$0x1200] =	vst v6  }
0x20: {  	v7 =	vld.idx.msk [tilespmem:v2+s12+$0x0], $0xffff;
	_ =	sdelay $0x4  }
0x21: {  	vm2 =	vne.s32 v6, v7  }
0x22: {  	v7 =	vnsel vm2, $0x80000000, v3  }
0x23: {  	(xrf0) =	vmax.scan.msk.u32 $0xffff, v7;
	_ =	sdelay $0x5  }
0x24: {  	v7, _, _ =	vpop (xrf0)  }
0x25: {  	v7 =	vxor.u32 $0x80000000, v7  }
0x26: {  	v10 =	vsub.s32 v1, v7  }
0x27: {  	[tilespmem:v8+s13+$0x0] =	vst.idx.msk $0xffff, v10  }
0x28: {  	v10 =	vld [tilespmem:$0x1280];
	_ =	sdelay $0x4  }
0x29: {  	v10 =	vadd.s32 v9, v10  }
0x2a: {  	vm2 =	vmor vm2, vm0;
	[tilespmem:s18+$0x400] =	vst v10  }
0x2b: {  	v63 =	vsel vm2, $0x1, v0;
	[tilespmem:$0x1300] =	vst v9  }
0x2c: {  	v8 =	vld.idx.msk [tilespmem:v8+s14+$0x0], $0xffff;
	[tilespmem:$0x1200] =	vst v63  }
0x2d: {  	v9 =	vld.idx.msk [tilespmem:v4+s12+$0x0], $0xffff;
	_ =	sdelay $0x4  }
0x2e: {  	vm2 =	veq.s32 v9, $0x1  }
0x2f: {  	vm2 =	vmor vm2, vm1;
	_ =	sdelay $0x2  }
0x30: {  	v7 =	vsub.s32 v8, v7  }
0x31: {  	s19 =	simm.s32 $0x80;
	s18 =	simm.s32 $0x40;
	v7 =	vadd.s32 v5, v7  }
.LBB2_2:
0x32: {  	p2 =	sne.s32 s19, $0xFC0  }
0x33: {  	s20 =	sshra.s32 s18, $0x2;
	[tilespmem:v6+s11+$0x0] =	vst.idx.msk vm2, v7;
	s18 =	smov.u32 s19;
	s19 =	sadd.s32 $0x40, s19  }
0x34: {  	v6 =	vld [tilespmem:s20+$0x0];
	_ =	sdelay $0x4  }
0x35: {  	v7 =	vxor.u32 $0x80000000, v6  }
0x36: {  	(xrf1) =	vsort.ascd.msk.u32 $0xffff, v7, v1;
	_ =	sdelay $0xd  }
0x37: {  	v7, v8, _ =	vpop (xrf1)  }
0x38: {  	v9 =	vld.idx.msk [tilespmem:v6+s11+$0x0], $0xffff;
	v6 =	vxor.u32 $0x80000000, v7  }
0x39: {  	[tilespmem:$0x1200] =	vst v6  }
0x3a: {  	v7 =	vld.idx.msk [tilespmem:v2+s12+$0x0], $0xffff;
	_ =	sdelay $0x5  }
0x3b: {  	vm2 =	vne.s32 v6, v7  }
0x3c: {  	vm3 =	vmor vm2, vm0;
	v7 =	vnsel vm2, $0x80000000, v3  }
0x3d: {  	(xrf0) =	vmax.scan.msk.u32 $0xffff, v7;
	_ =	sdelay $0x5  }
0x3e: {  	v7, _, _ =	vpop (xrf0)  }
0x3f: {  	v7 =	vxor.u32 $0x80000000, v7  }
0x40: {  	v10 =	vsub.s32 v1, v7  }
0x41: {  	[tilespmem:v8+s13+$0x0] =	vst.idx.msk $0xffff, v10  }
0x42: {  	v10 =	vld [tilespmem:$0x1280];
	_ =	sdelay $0x4  }
0x43: {  	v10 =	vadd.s32 v9, v10  }
0x44: {  	[tilespmem:s20+$0x400] =	vst v10  }
0x45: {  	[tilespmem:$0x1300] =	vst v9  }
0x46: {  	v9 =	vsel vm3, $0x1, v0;
	v8 =	vld.idx.msk [tilespmem:v8+s14+$0x0], $0xffff  }
0x47: {  	[tilespmem:$0x1200] =	vst v9  }
0x48: {  	v9 =	vld.idx.msk [tilespmem:v4+s12+$0x0], $0xffff;
	_ =	sdelay $0x3  }
0x49: {  	v7 =	vsub.s32 v8, v7;
	_ =	sdelay $0x1  }
0x4a: {  	vm2 =	veq.s32 v9, $0x1  }
0x4b: {  	vm2 =	vmor vm2, vm1  }
.Ltmp0:
0x4c: {  	(pc) =	sbr.rel @p2 .LBB2_2-.Ltmp0, $2  }
0x4d: {  	_ =	sdelay $0x2  }
0x4e: {  	v7 =	vadd.s32 v5, v7  }
0x4f: {  	_ =	sdelay $0x4  }
0x50: {  	s18 =	sshra.s32 s18, $0x2;
	[tilespmem:v6+s11+$0x0] =	vst.idx.msk vm2, v7  }
0x51: {  	v6 =	vld [tilespmem:s18+$0x0];
	_ =	sdelay $0x4  }
0x52: {  	v7 =	vxor.u32 $0x80000000, v6  }
0x53: {  	(xrf1) =	vsort.ascd.msk.u32 $0xffff, v7, v1;
	_ =	sdelay $0xd  }
0x54: {  	v7, v8, _ =	vpop (xrf1)  }
0x55: {  	v7 =	vxor.u32 $0x80000000, v7  }
0x56: {  	v6 =	vld.idx.msk [tilespmem:v6+s11+$0x0], $0xffff;
	[tilespmem:$0x1200] =	vst v7  }
0x57: {  	v9 =	vld.idx.msk [tilespmem:v2+s12+$0x0], $0xffff;
	_ =	sdelay $0x4  }
0x58: {  	vm2 =	vne.s32 v7, v9  }
0x59: {  	v9 =	vnsel vm2, $0x80000000, v3  }
0x5a: {  	(xrf0) =	vmax.scan.msk.u32 $0xffff, v9;
	_ =	sdelay $0x5  }
0x5b: {  	v9, _, _ =	vpop (xrf0)  }
0x5c: {  	v9 =	vxor.u32 $0x80000000, v9  }
0x5d: {  	v10 =	vsub.s32 v1, v9  }
0x5e: {  	[tilespmem:v8+s13+$0x0] =	vst.idx.msk $0xffff, v10  }
0x5f: {  	v10 =	vld [tilespmem:$0x1280];
	_ =	sdelay $0x4  }
0x60: {  	v10 =	vadd.s32 v6, v10  }
0x61: {  	[tilespmem:s18+$0x400] =	vst v10  }
0x62: {  	vm2 =	vmor vm2, vm0;
	[tilespmem:$0x1300] =	vst v6  }
0x63: {  	v6 =	vld.idx.msk [tilespmem:v8+s14+$0x0], $0xffff;
	v8 =	vsel vm2, $0x1, v0  }
0x64: {  	[tilespmem:$0x1200] =	vst v8  }
0x65: {  	v8 =	vld.idx.msk [tilespmem:v4+s12+$0x0], $0xffff;
	_ =	sdelay $0x4  }
0x66: {  	vm2 =	veq.s32 v8, $0x1  }
0x67: {  	vm2 =	vmor vm2, vm1;
	_ =	sdelay $0x3  }
0x68: {  	v6 =	vsub.s32 v6, v9  }
0x69: {  	v6 =	vadd.s32 v5, v6  }
0x6a: {  	[tilespmem:v7+s11+$0x0] =	vst.idx.msk vm2, v6  }
0x6b: {  	[spmem:s6] =	stream.linear.scatter [tilespmem:s11], [sflag:$0x1], $0x80, $0x38;
	[tilespmem:$0x1B80] =	vst v63  }
0x6c: {  	_ =	swait.ge [sflag:s10], $0x80  }
0x6d: {  	[sflag:s10] =	ssyncset.done $0x0  }
0x6e: {  	[sflag:s10] =	ssyncadd.s32 $0xFFFFFF80  }
0x6f: {  	s31 =	simm.s32 $0x880;
	[bflag:$0x0] =	sbarrier.arrive $0xFFFF  }
0x70: {  	[tilespmem:s31], [sflag:$0x1] =	stream.linear.gather [spmem:s2], $0x800, $0x38;
	[tilespmem:$0x1B80] =	vst v63  }
0x71: {  	_ =	swait.ge [sflag:s10], $0x800  }
0x72: {  	[sflag:s10] =	ssyncset.done $0x0  }
0x73: {  	[sflag:s10] =	ssyncadd.s32 $0xFFFFF800  }
0x74: {  	v7 =	vld [tilespmem:s31+$0x0];
	_ =	sdelay $0x2  }
0x75: {  	p2 =	sgt.u32 s4, $0x0;
	s19 =	simm.s32 $0x1  }
0x76: {  	s19 =	simm.s32 @!p2 $0x0;
	v6 =	vimm.s32 $0x0  }
0x77: {  	s18 =	simm.s32 $0x1;
	v8 =	vmul.u32 s19, v7;
	v7 =	vadd.s32 v6, v7;
	s19 =	simm.s32 $0x900  }
.LBB2_4:
0x78: {  	v9 =	vld [tilespmem:s19+$0x0];
	p2 =	sne.s32 s18, $0xF;
	s20 =	smov.u32 s18;
	s18 =	sadd.s32 $0x1, s18  }
.Ltmp1:
0x79: {  	v6 =	vadd.s32 v6, v8;
	(pc) =	sbr.rel @p2 .LBB2_4-.Ltmp1, $4  }
0x7a: {  	_ = 	snop  }
0x7b: {  	p3 =	slt.u32 s20, s4;
	s20 =	simm.s32 $0x1  }
0x7c: {  	s20 =	simm.s32 @!p3 $0x0  }
0x7d: {  	s19 =	sadd.s32 $0x80, s19;
	v8 =	vmul.u32 s20, v9;
	v7 =	vadd.s32 v7, v9  }
0x7e: {  	_ = 	snop  }
0x7f: {  	[tilespmem:$0x1180] =	vst v7;
	v6 =	vadd.s32 v6, v8  }
0x80: {  	s18 =	simm.s32 $0x890;
	[tilespmem:$0x1100] =	vst v6  }
0x81: {  	v7 =	vld [tilespmem:s18+$0x0];
	_ =	sdelay $0x2  }
0x82: {  	p2 =	sgt.u32 s4, $0x0;
	s19 =	simm.s32 $0x1  }
0x83: {  	s19 =	simm.s32 @!p2 $0x0;
	v6 =	vimm.s32 $0x0  }
0x84: {  	s18 =	simm.s32 $0x1;
	v8 =	vmul.u32 s19, v7;
	v7 =	vadd.s32 v6, v7;
	s19 =	simm.s32 $0x910  }
.LBB2_6:
0x85: {  	v9 =	vld [tilespmem:s19+$0x0];
	p2 =	sne.s32 s18, $0xF;
	s20 =	smov.u32 s18;
	s18 =	sadd.s32 $0x1, s18  }
.Ltmp2:
0x86: {  	v6 =	vadd.s32 v6, v8;
	(pc) =	sbr.rel @p2 .LBB2_6-.Ltmp2, $4  }
0x87: {  	_ = 	snop  }
0x88: {  	p3 =	slt.u32 s20, s4;
	s20 =	simm.s32 $0x1  }
0x89: {  	s20 =	simm.s32 @!p3 $0x0  }
0x8a: {  	s19 =	sadd.s32 $0x80, s19;
	v8 =	vmul.u32 s20, v9;
	v7 =	vadd.s32 v7, v9  }
0x8b: {  	_ = 	snop  }
0x8c: {  	[tilespmem:$0x1190] =	vst v7;
	v6 =	vadd.s32 v6, v8  }
0x8d: {  	s18 =	simm.s32 $0x8A0;
	[tilespmem:$0x1110] =	vst v6  }
0x8e: {  	v7 =	vld [tilespmem:s18+$0x0];
	_ =	sdelay $0x2  }
0x8f: {  	p2 =	sgt.u32 s4, $0x0;
	s19 =	simm.s32 $0x1  }
0x90: {  	s19 =	simm.s32 @!p2 $0x0;
	v6 =	vimm.s32 $0x0  }
0x91: {  	s18 =	simm.s32 $0x1;
	v8 =	vmul.u32 s19, v7;
	v7 =	vadd.s32 v6, v7;
	s19 =	simm.s32 $0x920  }
.LBB2_8:
0x92: {  	v9 =	vld [tilespmem:s19+$0x0];
	p2 =	sne.s32 s18, $0xF;
	s20 =	smov.u32 s18;
	s18 =	sadd.s32 $0x1, s18  }
.Ltmp3:
0x93: {  	v6 =	vadd.s32 v6, v8;
	(pc) =	sbr.rel @p2 .LBB2_8-.Ltmp3, $4  }
0x94: {  	_ = 	snop  }
0x95: {  	p3 =	slt.u32 s20, s4;
	s20 =	simm.s32 $0x1  }
0x96: {  	s20 =	simm.s32 @!p3 $0x0  }
0x97: {  	s19 =	sadd.s32 $0x80, s19;
	v8 =	vmul.u32 s20, v9;
	v7 =	vadd.s32 v7, v9  }
0x98: {  	_ = 	snop  }
0x99: {  	[tilespmem:$0x11A0] =	vst v7;
	v6 =	vadd.s32 v6, v8  }
0x9a: {  	s18 =	simm.s32 $0x8B0;
	[tilespmem:$0x1120] =	vst v6  }
0x9b: {  	v7 =	vld [tilespmem:s18+$0x0];
	_ =	sdelay $0x2  }
0x9c: {  	p2 =	sgt.u32 s4, $0x0;
	s19 =	simm.s32 $0x1  }
0x9d: {  	s19 =	simm.s32 @!p2 $0x0;
	v6 =	vimm.s32 $0x0  }
0x9e: {  	s18 =	simm.s32 $0x1;
	v8 =	vmul.u32 s19, v7;
	v7 =	vadd.s32 v6, v7;
	s19 =	simm.s32 $0x930  }
.LBB2_10:
0x9f: {  	v9 =	vld [tilespmem:s19+$0x0];
	p2 =	sne.s32 s18, $0xF;
	s20 =	smov.u32 s18;
	s18 =	sadd.s32 $0x1, s18  }
.Ltmp4:
0xa0: {  	v6 =	vadd.s32 v6, v8;
	(pc) =	sbr.rel @p2 .LBB2_10-.Ltmp4, $4  }
0xa1: {  	_ = 	snop  }
0xa2: {  	p3 =	slt.u32 s20, s4;
	s20 =	simm.s32 $0x1  }
0xa3: {  	s20 =	simm.s32 @!p3 $0x0  }
0xa4: {  	s19 =	sadd.s32 $0x80, s19;
	v8 =	vmul.u32 s20, v9;
	v7 =	vadd.s32 v7, v9  }
0xa5: {  	_ = 	snop  }
0xa6: {  	[tilespmem:$0x11B0] =	vst v7;
	v6 =	vadd.s32 v6, v8  }
0xa7: {  	s18 =	simm.s32 $0x8C0;
	[tilespmem:$0x1130] =	vst v6  }
0xa8: {  	v7 =	vld [tilespmem:s18+$0x0];
	_ =	sdelay $0x2  }
0xa9: {  	p2 =	sgt.u32 s4, $0x0;
	s19 =	simm.s32 $0x1  }
0xaa: {  	s19 =	simm.s32 @!p2 $0x0;
	v6 =	vimm.s32 $0x0  }
0xab: {  	s18 =	simm.s32 $0x1;
	v8 =	vmul.u32 s19, v7;
	v7 =	vadd.s32 v6, v7;
	s19 =	simm.s32 $0x940  }
.LBB2_12:
0xac: {  	v9 =	vld [tilespmem:s19+$0x0];
	p2 =	sne.s32 s18, $0xF;
	s20 =	smov.u32 s18;
	s18 =	sadd.s32 $0x1, s18  }
.Ltmp5:
0xad: {  	v6 =	vadd.s32 v6, v8;
	(pc) =	sbr.rel @p2 .LBB2_12-.Ltmp5, $4  }
0xae: {  	_ = 	snop  }
0xaf: {  	p3 =	slt.u32 s20, s4;
	s20 =	simm.s32 $0x1  }
0xb0: {  	s20 =	simm.s32 @!p3 $0x0  }
0xb1: {  	s19 =	sadd.s32 $0x80, s19;
	v8 =	vmul.u32 s20, v9;
	v7 =	vadd.s32 v7, v9  }
0xb2: {  	_ = 	snop  }
0xb3: {  	[tilespmem:$0x11C0] =	vst v7;
	v6 =	vadd.s32 v6, v8  }
0xb4: {  	s18 =	simm.s32 $0x8D0;
	[tilespmem:$0x1140] =	vst v6  }
0xb5: {  	v7 =	vld [tilespmem:s18+$0x0];
	_ =	sdelay $0x2  }
0xb6: {  	p2 =	sgt.u32 s4, $0x0;
	s19 =	simm.s32 $0x1  }
0xb7: {  	s19 =	simm.s32 @!p2 $0x0;
	v6 =	vimm.s32 $0x0  }
0xb8: {  	s18 =	simm.s32 $0x1;
	v8 =	vmul.u32 s19, v7;
	v7 =	vadd.s32 v6, v7;
	s19 =	simm.s32 $0x950  }
.LBB2_14:
0xb9: {  	v9 =	vld [tilespmem:s19+$0x0];
	p2 =	sne.s32 s18, $0xF;
	s20 =	smov.u32 s18;
	s18 =	sadd.s32 $0x1, s18  }
.Ltmp6:
0xba: {  	v6 =	vadd.s32 v6, v8;
	(pc) =	sbr.rel @p2 .LBB2_14-.Ltmp6, $4  }
0xbb: {  	_ = 	snop  }
0xbc: {  	p3 =	slt.u32 s20, s4;
	s20 =	simm.s32 $0x1  }
0xbd: {  	s20 =	simm.s32 @!p3 $0x0  }
0xbe: {  	s19 =	sadd.s32 $0x80, s19;
	v8 =	vmul.u32 s20, v9;
	v7 =	vadd.s32 v7, v9  }
0xbf: {  	_ = 	snop  }
0xc0: {  	[tilespmem:$0x11D0] =	vst v7;
	v6 =	vadd.s32 v6, v8  }
0xc1: {  	s18 =	simm.s32 $0x8E0;
	[tilespmem:$0x1150] =	vst v6  }
0xc2: {  	v7 =	vld [tilespmem:s18+$0x0];
	_ =	sdelay $0x2  }
0xc3: {  	p2 =	sgt.u32 s4, $0x0;
	s19 =	simm.s32 $0x1  }
0xc4: {  	s19 =	simm.s32 @!p2 $0x0;
	v6 =	vimm.s32 $0x0  }
0xc5: {  	s18 =	simm.s32 $0x1;
	v8 =	vmul.u32 s19, v7;
	v7 =	vadd.s32 v6, v7;
	s19 =	simm.s32 $0x960  }
.LBB2_16:
0xc6: {  	v9 =	vld [tilespmem:s19+$0x0];
	p2 =	sne.s32 s18, $0xF;
	s20 =	smov.u32 s18;
	s18 =	sadd.s32 $0x1, s18  }
.Ltmp7:
0xc7: {  	v6 =	vadd.s32 v6, v8;
	(pc) =	sbr.rel @p2 .LBB2_16-.Ltmp7, $4  }
0xc8: {  	_ = 	snop  }
0xc9: {  	p3 =	slt.u32 s20, s4;
	s20 =	simm.s32 $0x1  }
0xca: {  	s20 =	simm.s32 @!p3 $0x0  }
0xcb: {  	s19 =	sadd.s32 $0x80, s19;
	v8 =	vmul.u32 s20, v9;
	v7 =	vadd.s32 v7, v9  }
0xcc: {  	_ = 	snop  }
0xcd: {  	[tilespmem:$0x11E0] =	vst v7;
	v6 =	vadd.s32 v6, v8  }
0xce: {  	s18 =	simm.s32 $0x8F0;
	[tilespmem:$0x1160] =	vst v6  }
0xcf: {  	v7 =	vld [tilespmem:s18+$0x0];
	_ =	sdelay $0x2  }
0xd0: {  	p2 =	sgt.u32 s4, $0x0;
	s19 =	simm.s32 $0x1  }
0xd1: {  	s19 =	simm.s32 @!p2 $0x0;
	v6 =	vimm.s32 $0x0  }
0xd2: {  	s18 =	simm.s32 $0x1;
	v8 =	vmul.u32 s19, v7;
	v7 =	vadd.s32 v6, v7;
	s19 =	simm.s32 $0x970  }
.LBB2_18:
0xd3: {  	v9 =	vld [tilespmem:s19+$0x0];
	p2 =	sne.s32 s18, $0xF;
	s20 =	smov.u32 s18;
	s18 =	sadd.s32 $0x1, s18  }
.Ltmp8:
0xd4: {  	v6 =	vadd.s32 v6, v8;
	(pc) =	sbr.rel @p2 .LBB2_18-.Ltmp8, $4  }
0xd5: {  	_ = 	snop  }
0xd6: {  	p3 =	slt.u32 s20, s4;
	s20 =	simm.s32 $0x1  }
0xd7: {  	s20 =	simm.s32 @!p3 $0x0  }
0xd8: {  	s19 =	sadd.s32 $0x80, s19;
	v8 =	vmul.u32 s20, v9;
	v7 =	vadd.s32 v7, v9  }
0xd9: {  	_ = 	snop  }
0xda: {  	[tilespmem:$0x11F0] =	vst v7;
	v6 =	vadd.s32 v6, v8  }
0xdb: {  	s18 =	simm.s32 @!p0 $0x0;
	s19 =	simm.s32 @!p0 $0x1180;
	[tilespmem:$0x1170] =	vst v6  }
0xdc: {  	[hbm4b:s0+s18] =	stream.linear.scatter @!p0 [tilespmem:s19], [sflag:$0x1], $0x80, $0x38;
	[tilespmem:$0x1B80] =	vst v63  }
0xdd: {  	s18 =	simm.s32 @!p0 $0x1  }
0xde: {  	_ =	swait.ge @!p0 [sflag:s18], $0x80  }
0xdf: {  	[sflag:s18] =	ssyncset.done @!p0 $0x0  }
0xe0: {  	s19 =	simm.s32 $0x0;
	[sflag:s18] =	ssyncadd.s32 @!p0 $0xFFFFFF80  }
0xe1: {  	v7 =	vld [tilespmem:s19+$0x0];
	_ =	sdelay $0x6  }
0xe2: {  	v10 =	vld [tilespmem:s19+$0x400]  }
0xe3: {  	v9 =	vld.idx.msk [tilespmem:v7+s15+$0x0], $0xffff  }
0xe4: {  	v8 =	vld.idx.msk [tilespmem:v7+s16+$0x0], $0xffff;
	_ =	sdelay $0x1  }
0xe5: {  	s18 =	simm.s32 $0x10  }
0xe6: {  	s20 =	simm.s32 $0x80;
	v6 =	vld [tilespmem:s18+$0x0]  }
.LBB2_20:
0xe7: {  	p2 =	sne.s32 s20, $0xFC0  }
0xe8: {  	v9 =	vadd.s32 v10, v9;
	v10 =	vshra.s32 v8, $0x1  }
0xe9: {  	vm2 =	vgt.s32 v8, $0x9;
	vm3 =	vlt.s32 v9, v10;
	vm4 =	vge.s32 v9, v10  }
0xea: {  	vm3 =	vmand vm2, vm3;
	vm2 =	vmand vm2, vm4  }
0xeb: {  	v8 =	vnsel vm3, $0x80, v7;
	v9 =	vnsel vm2, $0x80, v7;
	v7 =	vmov v6  }
0xec: {  	[tilespmem:s19+$0x1780] =	vst v9  }
0xed: {  	[tilespmem:s19+$0x1380] =	vst v8;
	s19 =	smov.u32 s18  }
0xee: {  	v9 =	vld.idx.msk [tilespmem:v6+s15+$0x0], $0xffff  }
.Ltmp9:
0xef: {  	v8 =	vld.idx.msk [tilespmem:v6+s16+$0x0], $0xffff;
	(pc) =	sbr.rel @p2 .LBB2_20-.Ltmp9, $3  }
0xf0: {  	v10 =	vld [tilespmem:s19+$0x400];
	_ =	sdelay $0x1  }
0xf1: {  	s18 =	sshra.s32 s20, $0x2  }
0xf2: {  	s20 =	sadd.s32 $0x40, s20;
	v6 =	vld [tilespmem:s18+$0x0]  }
0xf3: {  	_ =	sdelay $0x1  }
0xf4: {  	v60 =	vshra.s32 v8, $0x1;
	v9 =	vadd.s32 v10, v9  }
0xf5: {  	vm2 =	vgt.s32 v8, $0x9;
	vm3 =	vge.s32 v9, v60  }
0xf6: {  	vm4 =	vlt.s32 v9, v60;
	vm3 =	vmand vm2, vm3  }
0xf7: {  	vm2 =	vmand vm2, vm4;
	v61 =	vnsel vm3, $0x80, v7  }
0xf8: {  	v7 =	vnsel vm2, $0x80, v7;
	[tilespmem:s19+$0x1780] =	vst v61  }
0xf9: {  	[tilespmem:s19+$0x1380] =	vst v7  }
0xfa: {  	v7 =	vld.idx.msk [tilespmem:v6+s15+$0x0], $0xffff  }
0xfb: {  	v8 =	vld.idx.msk [tilespmem:v6+s16+$0x0], $0xffff  }
0xfc: {  	v62 =	vld [tilespmem:s18+$0x400];
	_ =	sdelay $0x4  }
0xfd: {  	v7 =	vadd.s32 v62, v7;
	v63 =	vshra.s32 v8, $0x1  }
0xfe: {  	vm2 =	vgt.s32 v8, $0x9;
	vm3 =	vge.s32 v7, v63  }
0xff: {  	vm15 =	vlt.s32 v7, v63;
	vm3 =	vmand vm2, vm3  }
0x100: {  	vm2 =	vmand vm2, vm15;
	v7 =	vnsel vm3, $0x80, v6  }
0x101: {  	v6 =	vnsel vm2, $0x80, v6;
	[tilespmem:s18+$0x1780] =	vst v7  }
0x102: {  	s19 =	simm.s32 @!p1 $0x1380;
	[tilespmem:s18+$0x1380] =	vst v6;
	s18 =	simm.s32 @!p1 $0x0  }
0x103: {  	[hbm4b:s7+s18] =	stream.linear.scatter @!p1 [tilespmem:s19], [sflag:$0x1], $0x400, $0x38;
	[tilespmem:$0x1B80] =	vst v63  }
0x104: {  	s19 =	simm.s32 @!p1 $0x1  }
0x105: {  	s17 =	sadd.s32 $0x1, s17;
	_ =	swait.ge @!p1 [sflag:s19], $0x400  }
0x106: {  	p2 =	sne.s32 s17, s9;
	[sflag:s19] =	ssyncset.done @!p1 $0x0  }
.Ltmp10:
0x107: {  	s20 =	simm.s32 @!p1 $0x1780;
	[sflag:s19] =	ssyncadd.s32 @!p1 $0xFFFFFC00;
	(pc) =	sbr.rel @p2 .LBB2_1-.Ltmp10, $4  }
0x108: {  	[hbm4b:s8+s18] =	stream.linear.scatter @!p1 [tilespmem:s20], [sflag:$0x1], $0x400, $0x38;
	[tilespmem:$0x1B80] =	vst v63  }
0x109: {  	_ =	swait.ge @!p1 [sflag:s19], $0x400  }
0x10a: {  	[sflag:s19] =	ssyncset.done @!p1 $0x0  }
0x10b: {  	[sflag:s19] =	ssyncadd.s32 @!p1 $0xFFFFFC00  }
0x10c: {  	_ =	sfence.sel $0x180000  }
0x10d: {  	[bflag:$0x0] =	sbarrier.arrive $0xFFFF  }
0x10e: {  	p0 =	sne.s32 s4, $0x0;
	_ =	strace $0x90000047  }
0x10f: {  	s0 =	sadd.s32 @!p0 $0x100000, s1;
	[bflag:$0x2] =	sbarrier.arrive $0xFFFF  }
0x110: {  	[sflag:s0] =	ssyncadd.tile.s32 @!p0 $0x1;
	_ =	shalt  }
.Lfunc_end2:
_tile_overlayer_lowered:
.L_overlay_start_2:
0x111: {  	(tag) =	ssettag $0x2  }
0x112: {  	s0 =	rddreg [dreg:$0x0];
	s2 =	stileid.u32  }
0x113: {  	s1 =	rddreg [dreg:$0x1];
	p0 =	sne.s32 s2, $0x0  }
0x114: {  	s3 =	rddreg [dreg:$0x2];
	[bflag:$0x3] =	sbarrier.arrive $0xFFFF;
	s2 =	simm.s32 @!p0 $0x1C01  }
0x115: {  	[timem:s3], [sflag:s2] =	dma.local @!p0 [hbm:s0], s1  }
0x116: {  	s0 =	simm.s32 @!p0 $0x1  }
0x117: {  	_ =	swait.ge @!p0 [sflag:s0], s1  }
0x118: {  	s1 =	ssub.s32 @!p0 $0x0, s1;
	[sflag:s0] =	ssyncset.done @!p0 $0x0  }
0x119: {  	[sflag:s0] =	ssyncadd.s32 @!p0 s1  }
0x11a: {  	[bflag:$0x3] =	sbarrier.arrive $0xFFFF  }
0x11b: {  	_ =	shalt  }

</sc_bundles>
